<compile_context>
chip_gen: v7x
topology: tpu7x:2x2x1
jax: 0.10.2.dev20260603
libtpu: 0.0.44.dev20260713+nightly
codegen_flags: <defaults>
</compile_context>

<pallas_src>
import functools

import jax
from jax import lax
import jax.numpy as jnp
from jax.experimental import pallas as pl
import jax.experimental.pallas.tpu as pltpu
from jax.experimental.pallas import tpu_sc as plsc

HIDDEN = 1024
E = 8
T_TOTAL = 8192
TB = 1024
NUM_TB = T_TOTAL // TB

NC = 2
NS = 16
NW = NC * NS
ROWS_PER_W = T_TOTAL // NW
ZROWS = 32
NCHUNK = ROWS_PER_W // ZROWS


def _dot_t(a, b):
    return jax.lax.dot_general(
        a, b, (((1,), (1,)), ((), ())), preferred_element_type=jnp.float32
    )


def _router_expert_kernel(x_ref, x8_ref, gw_ref, gb_ref, gbt_ref, ew_ref,
                          eb_ref, out8_ref, logits_ref, c_ref):
    t = pl.program_id(0)

    xb = x_ref[:, :]
    gw = gw_ref[:, :]
    gb = gb_ref[:, :]
    logits_ref[:, :] = _dot_t(gw, xb) + gbt_ref[:, :]

    x8 = x8_ref[:, :]

    @pl.when(t == 0)
    def _init():
        l8 = _dot_t(x8, gw) + gb
        m = jnp.max(l8, axis=-1, keepdims=True)
        p = jnp.exp(l8 - m)
        p = p / jnp.sum(p, axis=-1, keepdims=True)

        iota_e = jax.lax.broadcasted_iota(
            jnp.int32, (E, E), 1).astype(jnp.float32)
        iota_r = jax.lax.broadcasted_iota(
            jnp.int32, (E, E), 0).astype(jnp.float32)

        rank = jnp.zeros((E, E), jnp.float32)
        for e2 in range(E):
            pe2 = p[:, e2:e2 + 1]
            rank = rank + jnp.where(
                (pe2 > p) | ((pe2 == p) & (e2 < iota_e)), 1.0, 0.0)

        sp = jnp.zeros((E, E), jnp.float32)
        for e in range(E):
            sp = sp + jnp.where(rank[:, e:e + 1] == iota_e,
                                p[:, e:e + 1], 0.0)
        sp = sp / jnp.sum(sp, axis=-1, keepdims=True)

        for i in range(E):
            ri = rank[i:i + 1, :]
            c_ref[i] = sp * jnp.where(ri == iota_r, 1.0, 0.0)

        out8_ref[:, :] = jnp.zeros((E, HIDDEN), jnp.float32)

    y = _dot_t(x8, ew_ref[0]) + eb_ref[0]

    out8_ref[:, :] += jax.lax.dot_general(
        c_ref[t], y, (((1,), (0,)), ((), ())),
        preferred_element_type=jnp.float32)


def _zero_fill_kernel(out_hbm, zbuf, sem):
    cid = lax.axis_index("c")
    sid = lax.axis_index("s")
    wid = sid * NC + cid

    def zero_row(r, _):
        def zero_vec(j, _):
            zbuf[r, pl.ds(j * 16, 16)] = jnp.zeros((16,), jnp.float32)
            return 0
        return lax.fori_loop(0, HIDDEN // 16, zero_vec, 0, unroll=8)

    lax.fori_loop(0, ZROWS, zero_row, 0)

    base = wid * ROWS_PER_W
    copies = [
        pltpu.async_copy(zbuf, out_hbm.at[pl.ds(base + k * ZROWS, ZROWS)], sem)
        for k in range(NCHUNK)
    ]
    for cp in copies:
        cp.wait()


def _patch_kernel(z_ref, o8_ref, out_ref):
    del z_ref
    out_ref[:, :] = o8_ref[:, :]


@jax.jit
def kernel(x, gate_W, gate_b, expert_W, expert_b):
    B, S, H = x.shape
    xf = x.reshape(B * S, H)
    gb2 = gate_b.reshape(1, E)
    ew_half = expert_W
    eb_half = expert_b.reshape(E, 1, H)

    out8, logits = pl.pallas_call(
        _router_expert_kernel,
        grid=(NUM_TB,),
        in_specs=[
            pl.BlockSpec((TB, H), lambda i: (i, 0)),
            pl.BlockSpec((E, H), lambda i: (0, 0)),
            pl.BlockSpec((E, H), lambda i: (0, 0)),
            pl.BlockSpec((1, E), lambda i: (0, 0)),
            pl.BlockSpec((E, 1), lambda i: (0, 0)),
            pl.BlockSpec((1, H, H), lambda i: (i, 0, 0)),
            pl.BlockSpec((1, 1, H), lambda i: (i, 0, 0)),
        ],
        out_specs=[
            pl.BlockSpec((E, H), lambda i: (0, 0)),
            pl.BlockSpec((E, TB), lambda i: (0, i)),
        ],
        out_shape=[
            jax.ShapeDtypeStruct((E, H), jnp.float32),
            jax.ShapeDtypeStruct((E, B * S), jnp.float32),
        ],
        scratch_shapes=[pltpu.VMEM((E, E, E), jnp.float32)],
    )(xf, xf, gate_W, gb2, gate_b.reshape(E, 1), ew_half, eb_half)

    zero_fill = functools.partial(
        pl.kernel,
        mesh=plsc.VectorSubcoreMesh(core_axis_name="c", subcore_axis_name="s"),
        out_type=jax.ShapeDtypeStruct((B * S, H), jnp.float32),
        scratch_types=[
            pltpu.VMEM((ZROWS, H), jnp.float32),
            pltpu.SemaphoreType.DMA,
        ],
    )(_zero_fill_kernel)
    out_z = zero_fill()

    out = pl.pallas_call(
        _patch_kernel,
        grid=(1,),
        in_specs=[
            pl.BlockSpec((E, H), lambda i: (0, 0)),
            pl.BlockSpec((E, H), lambda i: (0, 0)),
        ],
        out_specs=pl.BlockSpec((E, H), lambda i: (0, 0)),
        out_shape=jax.ShapeDtypeStruct((B * S, H), jnp.float32),
        input_output_aliases={0: 0},
    )(out_z, out8)

    return out.reshape(B, S, H), logits.T

# --- scband reference (transcript-rebuilt; emitter-appended) ---
"""Pipeline reference for scband-sparse-moe-34351148433722 (READ-ONLY COPY).

The authoritative reference and input builder live on the scoring server;
editing this copy changes nothing except your own understanding.
"""

import jax, jax.numpy as jnp
import numpy as np

HIDDEN_DIM = 1024
EXPERT_NUMBER = 8
TOP_K = 8
BATCH = 4
SEQ_LEN = 2048


def setup_inputs(seed: int = 0) -> dict:
    key = jax.random.key(seed)
    k1, k2, k3, k4, k5 = jax.random.split(key, 5)
    x = jax.random.normal(k1, (BATCH, SEQ_LEN, HIDDEN_DIM), dtype=jnp.float32)
    gate_W = jax.random.normal(k2, (EXPERT_NUMBER, HIDDEN_DIM), dtype=jnp.float32) * 0.02
    gate_b = jnp.zeros((EXPERT_NUMBER,), dtype=jnp.float32)
    expert_W = jax.random.normal(k3, (EXPERT_NUMBER, HIDDEN_DIM, HIDDEN_DIM), dtype=jnp.float32) * 0.02
    expert_b = jnp.zeros((EXPERT_NUMBER, HIDDEN_DIM), dtype=jnp.float32)
    return {"x": x, "gate_W": gate_W, "gate_b": gate_b, "expert_W": expert_W, "expert_b": expert_b}


def reference(x, gate_W, gate_b, expert_W, expert_b):
    B, S, H = x.shape
    T = B * S
    xf = x.reshape(T, H)
    # MOERouter: gate linear -> softmax -> topk -> renorm -> one_hot mask
    router_logits = xf @ gate_W.T + gate_b  # [T, E]
    router_probs = jax.nn.softmax(router_logits, axis=-1)
    top_k_probs, top_k_indices = jax.lax.top_k(router_probs, TOP_K)  # [T, k]
    top_k_probs = top_k_probs / jnp.sum(top_k_probs, axis=-1, keepdims=True)
    top_k_probs = top_k_probs.astype(x.dtype)
    expert_mask = jax.nn.one_hot(top_k_indices, EXPERT_NUMBER, dtype=jnp.int32)  # [T, k, E]
    expert_mask = jnp.transpose(expert_mask, (0, 2, 1))  # [T, E, k] (faithful to torch permute(0,2,1))
    out = jnp.zeros((T, H), dtype=x.dtype)
    for i in range(EXPERT_NUMBER):
        # Faithful to the torch code: expert_mask[i] indexes TOKEN i (first dim), giving [E, k]
        current_expert_mask = expert_mask[i]
        # torch.where -> row-major nonzero coordinates; exactly one nonzero per column => k nonzeros
        idx, top_x = jnp.nonzero(current_expert_mask, size=TOP_K)
        current_x = xf[idx]  # gather rows of x by (expert-id) values, faithful to the original
        current_x = current_x @ expert_W[i].T + expert_b[i]
        current_logits = top_k_probs[top_x, idx][:, None]
        current_state = current_x * current_logits
        out = out.at[top_x].add(current_state)  # index_add_
    out = out.reshape(B, S, H)
    return (out, router_logits)

if __name__ == "__main__":
    import jax
    _d = setup_inputs()
    print(jax.jit(kernel)(*tuple(_d.values())))

</pallas_src>

<mosaic_0001>
#map = affine_map<(d0, d1) -> (0, 0)>
module attributes {stable_mosaic.version = 14 : i64} {
  func.func @_zero_fill_kernel(%arg0: i32, %arg1: i32, %arg2: memref<8192x1024xf32, #tpu.memory_space<hbm>>, %arg3: memref<32x1024xf32, #tpu.memory_space<vmem>>, %arg4: memref<!tpu.dma_semaphore, #tpu.memory_space<semaphore_mem>>) attributes {dimension_semantics = [#tpu.dimension_semantics<core_parallel>, #tpu.dimension_semantics<subcore_parallel>], iteration_bounds = array<i64: 2, 16>, scalar_prefetch = 0 : i64, scratch_operands = 2 : i64, tpu.core_type = #tpu.core_type<sc_vector_subcore>, window_params = [{transform_indices = #map}]} {
    %mul3A = arith.constant 2 : i32
    %mul3A_0 = arith.muli %arg1, %mul3A : i32
    %add3A = arith.addi %mul3A_0, %arg0 : i32
    %scan3A = arith.constant 0 : i32
    %scan3A_1 = arith.constant 0 : i32
    %scan3A_2 = arith.constant 32 : i32
    %scan3A_3 = arith.addi %scan3A_1, %scan3A_2 : i32
    %scan3A_4 = arith.constant 1 : i32
    %scan3A_5 = scf.for %scan3A_87 = %scan3A_1 to %scan3A_3 step %scan3A_4 iter_args(%scan3A_88 = %scan3A) -> (i32)  : i32 {
      %scan3A_89 = arith.constant 0 : i32
      %scan3A_90 = arith.constant 0 : i32
      %scan3A_91 = arith.constant 64 : i32
      %scan3A_92 = arith.addi %scan3A_90, %scan3A_91 : i32
      %scan3A_93 = arith.constant 8 : i32
      %scan3A_94 = scf.for %scan3A_96 = %scan3A_90 to %scan3A_92 step %scan3A_93 iter_args(%scan3A_97 = %scan3A_89) -> (i32)  : i32 {
        %broadcast_in_dim3A = arith.constant 0.000000e+00 : f32
        %broadcast_in_dim3A_98 = vector.broadcast %broadcast_in_dim3A : f32 to vector<16xf32>
        %mul3A_99 = arith.constant 16 : i32
        %mul3A_100 = arith.muli %scan3A_96, %mul3A_99 : i32
        %swap3A = arith.index_cast %scan3A_87 : i32 to index
        %swap3A_101 = arith.index_cast %mul3A_100 : i32 to index
        %swap3A_102 = tpu.vector_load %arg3[%swap3A, %swap3A_101] {strides = array<i32>} : memref<32x1024xf32, #tpu.memory_space<vmem>>, vector<1x16xf32>,
        %swap3A_103 = vector.shape_cast %swap3A_102 : vector<1x16xf32> to vector<16xf32>
        %swap3A_104 = vector.shape_cast %broadcast_in_dim3A_98 : vector<16xf32> to vector<1x16xf32>
        tpu.vector_store %arg3[%swap3A, %swap3A_101], %swap3A_104 {strides = array<i32>} : memref<32x1024xf32, #tpu.memory_space<vmem>>, vector<1x16xf32>,
        %scan3A_105 = arith.constant 0 : i32
        %scan3A_106 = arith.constant 1 : i32
        %scan3A_107 = arith.addi %scan3A_96, %scan3A_106 : i32
        %broadcast_in_dim3A_108 = arith.constant 0.000000e+00 : f32
        %broadcast_in_dim3A_109 = vector.broadcast %broadcast_in_dim3A_108 : f32 to vector<16xf32>
        %mul3A_110 = arith.constant 16 : i32
        %mul3A_111 = arith.muli %scan3A_107, %mul3A_110 : i32
        %swap3A_112 = arith.index_cast %scan3A_87 : i32 to index
        %swap3A_113 = arith.index_cast %mul3A_111 : i32 to index
        %swap3A_114 = tpu.vector_load %arg3[%swap3A_112, %swap3A_113] {strides = array<i32>} : memref<32x1024xf32, #tpu.memory_space<vmem>>, vector<1x16xf32>,
        %swap3A_115 = vector.shape_cast %swap3A_114 : vector<1x16xf32> to vector<16xf32>
        %swap3A_116 = vector.shape_cast %broadcast_in_dim3A_109 : vector<16xf32> to vector<1x16xf32>
        tpu.vector_store %arg3[%swap3A_112, %swap3A_113], %swap3A_116 {strides = array<i32>} : memref<32x1024xf32, #tpu.memory_space<vmem>>, vector<1x16xf32>,
        %scan3A_117 = arith.constant 0 : i32
        %scan3A_118 = arith.constant 2 : i32
        %scan3A_119 = arith.addi %scan3A_96, %scan3A_118 : i32
        %broadcast_in_dim3A_120 = arith.constant 0.000000e+00 : f32
        %broadcast_in_dim3A_121 = vector.broadcast %broadcast_in_dim3A_120 : f32 to vector<16xf32>
        %mul3A_122 = arith.constant 16 : i32
        %mul3A_123 = arith.muli %scan3A_119, %mul3A_122 : i32
        %swap3A_124 = arith.index_cast %scan3A_87 : i32 to index
        %swap3A_125 = arith.index_cast %mul3A_123 : i32 to index
        %swap3A_126 = tpu.vector_load %arg3[%swap3A_124, %swap3A_125] {strides = array<i32>} : memref<32x1024xf32, #tpu.memory_space<vmem>>, vector<1x16xf32>,
        %swap3A_127 = vector.shape_cast %swap3A_126 : vector<1x16xf32> to vector<16xf32>
        %swap3A_128 = vector.shape_cast %broadcast_in_dim3A_121 : vector<16xf32> to vector<1x16xf32>
        tpu.vector_store %arg3[%swap3A_124, %swap3A_125], %swap3A_128 {strides = array<i32>} : memref<32x1024xf32, #tpu.memory_space<vmem>>, vector<1x16xf32>,
        %scan3A_129 = arith.constant 0 : i32
        %scan3A_130 = arith.constant 3 : i32
        %scan3A_131 = arith.addi %scan3A_96, %scan3A_130 : i32
        %broadcast_in_dim3A_132 = arith.constant 0.000000e+00 : f32
        %broadcast_in_dim3A_133 = vector.broadcast %broadcast_in_dim3A_132 : f32 to vector<16xf32>
        %mul3A_134 = arith.constant 16 : i32
        %mul3A_135 = arith.muli %scan3A_131, %mul3A_134 : i32
        %swap3A_136 = arith.index_cast %scan3A_87 : i32 to index
        %swap3A_137 = arith.index_cast %mul3A_135 : i32 to index
        %swap3A_138 = tpu.vector_load %arg3[%swap3A_136, %swap3A_137] {strides = array<i32>} : memref<32x1024xf32, #tpu.memory_space<vmem>>, vector<1x16xf32>,
        %swap3A_139 = vector.shape_cast %swap3A_138 : vector<1x16xf32> to vector<16xf32>
        %swap3A_140 = vector.shape_cast %broadcast_in_dim3A_133 : vector<16xf32> to vector<1x16xf32>
        tpu.vector_store %arg3[%swap3A_136, %swap3A_137], %swap3A_140 {strides = array<i32>} : memref<32x1024xf32, #tpu.memory_space<vmem>>, vector<1x16xf32>,
        %scan3A_141 = arith.constant 0 : i32
        %scan3A_142 = arith.constant 4 : i32
        %scan3A_143 = arith.addi %scan3A_96, %scan3A_142 : i32
        %broadcast_in_dim3A_144 = arith.constant 0.000000e+00 : f32
        %broadcast_in_dim3A_145 = vector.broadcast %broadcast_in_dim3A_144 : f32 to vector<16xf32>
        %mul3A_146 = arith.constant 16 : i32
        %mul3A_147 = arith.muli %scan3A_143, %mul3A_146 : i32
        %swap3A_148 = arith.index_cast %scan3A_87 : i32 to index
        %swap3A_149 = arith.index_cast %mul3A_147 : i32 to index
        %swap3A_150 = tpu.vector_load %arg3[%swap3A_148, %swap3A_149] {strides = array<i32>} : memref<32x1024xf32, #tpu.memory_space<vmem>>, vector<1x16xf32>,
        %swap3A_151 = vector.shape_cast %swap3A_150 : vector<1x16xf32> to vector<16xf32>
        %swap3A_152 = vector.shape_cast %broadcast_in_dim3A_145 : vector<16xf32> to vector<1x16xf32>
        tpu.vector_store %arg3[%swap3A_148, %swap3A_149], %swap3A_152 {strides = array<i32>} : memref<32x1024xf32, #tpu.memory_space<vmem>>, vector<1x16xf32>,
        %scan3A_153 = arith.constant 0 : i32
        %scan3A_154 = arith.constant 5 : i32
        %scan3A_155 = arith.addi %scan3A_96, %scan3A_154 : i32
        %broadcast_in_dim3A_156 = arith.constant 0.000000e+00 : f32
        %broadcast_in_dim3A_157 = vector.broadcast %broadcast_in_dim3A_156 : f32 to vector<16xf32>
        %mul3A_158 = arith.constant 16 : i32
        %mul3A_159 = arith.muli %scan3A_155, %mul3A_158 : i32
        %swap3A_160 = arith.index_cast %scan3A_87 : i32 to index
        %swap3A_161 = arith.index_cast %mul3A_159 : i32 to index
        %swap3A_162 = tpu.vector_load %arg3[%swap3A_160, %swap3A_161] {strides = array<i32>} : memref<32x1024xf32, #tpu.memory_space<vmem>>, vector<1x16xf32>,
        %swap3A_163 = vector.shape_cast %swap3A_162 : vector<1x16xf32> to vector<16xf32>
        %swap3A_164 = vector.shape_cast %broadcast_in_dim3A_157 : vector<16xf32> to vector<1x16xf32>
        tpu.vector_store %arg3[%swap3A_160, %swap3A_161], %swap3A_164 {strides = array<i32>} : memref<32x1024xf32, #tpu.memory_space<vmem>>, vector<1x16xf32>,
        %scan3A_165 = arith.constant 0 : i32
        %scan3A_166 = arith.constant 6 : i32
        %scan3A_167 = arith.addi %scan3A_96, %scan3A_166 : i32
        %broadcast_in_dim3A_168 = arith.constant 0.000000e+00 : f32
        %broadcast_in_dim3A_169 = vector.broadcast %broadcast_in_dim3A_168 : f32 to vector<16xf32>
        %mul3A_170 = arith.constant 16 : i32
        %mul3A_171 = arith.muli %scan3A_167, %mul3A_170 : i32
        %swap3A_172 = arith.index_cast %scan3A_87 : i32 to index
        %swap3A_173 = arith.index_cast %mul3A_171 : i32 to index
        %swap3A_174 = tpu.vector_load %arg3[%swap3A_172, %swap3A_173] {strides = array<i32>} : memref<32x1024xf32, #tpu.memory_space<vmem>>, vector<1x16xf32>,
        %swap3A_175 = vector.shape_cast %swap3A_174 : vector<1x16xf32> to vector<16xf32>
        %swap3A_176 = vector.shape_cast %broadcast_in_dim3A_169 : vector<16xf32> to vector<1x16xf32>
        tpu.vector_store %arg3[%swap3A_172, %swap3A_173], %swap3A_176 {strides = array<i32>} : memref<32x1024xf32, #tpu.memory_space<vmem>>, vector<1x16xf32>,
        %scan3A_177 = arith.constant 0 : i32
        %scan3A_178 = arith.constant 7 : i32
        %scan3A_179 = arith.addi %scan3A_96, %scan3A_178 : i32
        %broadcast_in_dim3A_180 = arith.constant 0.000000e+00 : f32
        %broadcast_in_dim3A_181 = vector.broadcast %broadcast_in_dim3A_180 : f32 to vector<16xf32>
        %mul3A_182 = arith.constant 16 : i32
        %mul3A_183 = arith.muli %scan3A_179, %mul3A_182 : i32
        %swap3A_184 = arith.index_cast %scan3A_87 : i32 to index
        %swap3A_185 = arith.index_cast %mul3A_183 : i32 to index
        %swap3A_186 = tpu.vector_load %arg3[%swap3A_184, %swap3A_185] {strides = array<i32>} : memref<32x1024xf32, #tpu.memory_space<vmem>>, vector<1x16xf32>,
        %swap3A_187 = vector.shape_cast %swap3A_186 : vector<1x16xf32> to vector<16xf32>
        %swap3A_188 = vector.shape_cast %broadcast_in_dim3A_181 : vector<16xf32> to vector<1x16xf32>
        tpu.vector_store %arg3[%swap3A_184, %swap3A_185], %swap3A_188 {strides = array<i32>} : memref<32x1024xf32, #tpu.memory_space<vmem>>, vector<1x16xf32>,
        %scan3A_189 = arith.constant 0 : i32
        scf.yield %scan3A_189 : i32
      }
      %scan3A_95 = arith.constant 64 : i32
      scf.yield %scan3A_94 : i32
    }
    %scan3A_6 = arith.constant 32 : i32
    %mul3A_7 = arith.constant 256 : i32
    %mul3A_8 = arith.muli %add3A, %mul3A_7 : i32
    %add3A_9 = arith.constant 0 : i32
    %add3A_10 = arith.addi %mul3A_8, %add3A_9 : i32
    %dma_start3A = arith.constant 0 : i32
    %dma_start3A_11 = tpu.memref_slice %arg2[%add3A_10, %dma_start3A] : memref<8192x1024xf32, #tpu.memory_space<hbm>> -> memref<32x1024xf32, #tpu.memory_space<hbm>>
    %dma_start3A_12 = arith.constant 0 : i32
    %dma_start3A_13 = tpu.memref_slice %arg2[%add3A_10, %dma_start3A_12] : memref<8192x1024xf32, #tpu.memory_space<hbm>> -> memref<32x1024xf32, #tpu.memory_space<hbm>>
    tpu.enqueue_dma source(%arg3 : memref<32x1024xf32, #tpu.memory_space<vmem>>) target(%dma_start3A_13 : memref<32x1024xf32, #tpu.memory_space<hbm>>) target_semaphore(%arg4 : memref<!tpu.dma_semaphore, #tpu.memory_space<semaphore_mem>>)
    %add3A_14 = arith.constant 32 : i32
    %add3A_15 = arith.addi %mul3A_8, %add3A_14 : i32
    %dma_start3A_16 = arith.constant 0 : i32
    %dma_start3A_17 = tpu.memref_slice %arg2[%add3A_15, %dma_start3A_16] : memref<8192x1024xf32, #tpu.memory_space<hbm>> -> memref<32x1024xf32, #tpu.memory_space<hbm>>
    %dma_start3A_18 = arith.constant 0 : i32
    %dma_start3A_19 = tpu.memref_slice %arg2[%add3A_15, %dma_start3A_18] : memref<8192x1024xf32, #tpu.memory_space<hbm>> -> memref<32x1024xf32, #tpu.memory_space<hbm>>
    tpu.enqueue_dma source(%arg3 : memref<32x1024xf32, #tpu.memory_space<vmem>>) target(%dma_start3A_19 : memref<32x1024xf32, #tpu.memory_space<hbm>>) target_semaphore(%arg4 : memref<!tpu.dma_semaphore, #tpu.memory_space<semaphore_mem>>)
    %add3A_20 = arith.constant 64 : i32
    %add3A_21 = arith.addi %mul3A_8, %add3A_20 : i32
    %dma_start3A_22 = arith.constant 0 : i32
    %dma_start3A_23 = tpu.memref_slice %arg2[%add3A_21, %dma_start3A_22] : memref<8192x1024xf32, #tpu.memory_space<hbm>> -> memref<32x1024xf32, #tpu.memory_space<hbm>>
    %dma_start3A_24 = arith.constant 0 : i32
    %dma_start3A_25 = tpu.memref_slice %arg2[%add3A_21, %dma_start3A_24] : memref<8192x1024xf32, #tpu.memory_space<hbm>> -> memref<32x1024xf32, #tpu.memory_space<hbm>>
    tpu.enqueue_dma source(%arg3 : memref<32x1024xf32, #tpu.memory_space<vmem>>) target(%dma_start3A_25 : memref<32x1024xf32, #tpu.memory_space<hbm>>) target_semaphore(%arg4 : memref<!tpu.dma_semaphore, #tpu.memory_space<semaphore_mem>>)
    %add3A_26 = arith.constant 96 : i32
    %add3A_27 = arith.addi %mul3A_8, %add3A_26 : i32
    %dma_start3A_28 = arith.constant 0 : i32
    %dma_start3A_29 = tpu.memref_slice %arg2[%add3A_27, %dma_start3A_28] : memref<8192x1024xf32, #tpu.memory_space<hbm>> -> memref<32x1024xf32, #tpu.memory_space<hbm>>
    %dma_start3A_30 = arith.constant 0 : i32
    %dma_start3A_31 = tpu.memref_slice %arg2[%add3A_27, %dma_start3A_30] : memref<8192x1024xf32, #tpu.memory_space<hbm>> -> memref<32x1024xf32, #tpu.memory_space<hbm>>
    tpu.enqueue_dma source(%arg3 : memref<32x1024xf32, #tpu.memory_space<vmem>>) target(%dma_start3A_31 : memref<32x1024xf32, #tpu.memory_space<hbm>>) target_semaphore(%arg4 : memref<!tpu.dma_semaphore, #tpu.memory_space<semaphore_mem>>)
    %add3A_32 = arith.constant 128 : i32
    %add3A_33 = arith.addi %mul3A_8, %add3A_32 : i32
    %dma_start3A_34 = arith.constant 0 : i32
    %dma_start3A_35 = tpu.memref_slice %arg2[%add3A_33, %dma_start3A_34] : memref<8192x1024xf32, #tpu.memory_space<hbm>> -> memref<32x1024xf32, #tpu.memory_space<hbm>>
    %dma_start3A_36 = arith.constant 0 : i32
    %dma_start3A_37 = tpu.memref_slice %arg2[%add3A_33, %dma_start3A_36] : memref<8192x1024xf32, #tpu.memory_space<hbm>> -> memref<32x1024xf32, #tpu.memory_space<hbm>>
    tpu.enqueue_dma source(%arg3 : memref<32x1024xf32, #tpu.memory_space<vmem>>) target(%dma_start3A_37 : memref<32x1024xf32, #tpu.memory_space<hbm>>) target_semaphore(%arg4 : memref<!tpu.dma_semaphore, #tpu.memory_space<semaphore_mem>>)
    %add3A_38 = arith.constant 160 : i32
    %add3A_39 = arith.addi %mul3A_8, %add3A_38 : i32
    %dma_start3A_40 = arith.constant 0 : i32
    %dma_start3A_41 = tpu.memref_slice %arg2[%add3A_39, %dma_start3A_40] : memref<8192x1024xf32, #tpu.memory_space<hbm>> -> memref<32x1024xf32, #tpu.memory_space<hbm>>
    %dma_start3A_42 = arith.constant 0 : i32
    %dma_start3A_43 = tpu.memref_slice %arg2[%add3A_39, %dma_start3A_42] : memref<8192x1024xf32, #tpu.memory_space<hbm>> -> memref<32x1024xf32, #tpu.memory_space<hbm>>
    tpu.enqueue_dma source(%arg3 : memref<32x1024xf32, #tpu.memory_space<vmem>>) target(%dma_start3A_43 : memref<32x1024xf32, #tpu.memory_space<hbm>>) target_semaphore(%arg4 : memref<!tpu.dma_semaphore, #tpu.memory_space<semaphore_mem>>)
    %add3A_44 = arith.constant 192 : i32
    %add3A_45 = arith.addi %mul3A_8, %add3A_44 : i32
    %dma_start3A_46 = arith.constant 0 : i32
    %dma_start3A_47 = tpu.memref_slice %arg2[%add3A_45, %dma_start3A_46] : memref<8192x1024xf32, #tpu.memory_space<hbm>> -> memref<32x1024xf32, #tpu.memory_space<hbm>>
    %dma_start3A_48 = arith.constant 0 : i32
    %dma_start3A_49 = tpu.memref_slice %arg2[%add3A_45, %dma_start3A_48] : memref<8192x1024xf32, #tpu.memory_space<hbm>> -> memref<32x1024xf32, #tpu.memory_space<hbm>>
    tpu.enqueue_dma source(%arg3 : memref<32x1024xf32, #tpu.memory_space<vmem>>) target(%dma_start3A_49 : memref<32x1024xf32, #tpu.memory_space<hbm>>) target_semaphore(%arg4 : memref<!tpu.dma_semaphore, #tpu.memory_space<semaphore_mem>>)
    %add3A_50 = arith.constant 224 : i32
    %add3A_51 = arith.addi %mul3A_8, %add3A_50 : i32
    %dma_start3A_52 = arith.constant 0 : i32
    %dma_start3A_53 = tpu.memref_slice %arg2[%add3A_51, %dma_start3A_52] : memref<8192x1024xf32, #tpu.memory_space<hbm>> -> memref<32x1024xf32, #tpu.memory_space<hbm>>
    %dma_start3A_54 = arith.constant 0 : i32
    %dma_start3A_55 = tpu.memref_slice %arg2[%add3A_51, %dma_start3A_54] : memref<8192x1024xf32, #tpu.memory_space<hbm>> -> memref<32x1024xf32, #tpu.memory_space<hbm>>
    tpu.enqueue_dma source(%arg3 : memref<32x1024xf32, #tpu.memory_space<vmem>>) target(%dma_start3A_55 : memref<32x1024xf32, #tpu.memory_space<hbm>>) target_semaphore(%arg4 : memref<!tpu.dma_semaphore, #tpu.memory_space<semaphore_mem>>)
    %dma_wait3A = arith.constant 0 : i32
    %dma_wait3A_56 = tpu.memref_slice %arg2[%add3A_10, %dma_wait3A] : memref<8192x1024xf32, #tpu.memory_space<hbm>> -> memref<32x1024xf32, #tpu.memory_space<hbm>>
    %dma_wait3A_57 = arith.constant 0 : i32
    %dma_wait3A_58 = tpu.memref_slice %arg2[%add3A_10, %dma_wait3A_57] : memref<8192x1024xf32, #tpu.memory_space<hbm>> -> memref<32x1024xf32, #tpu.memory_space<hbm>>
    tpu.wait_dma2 semaphore(%arg4 : memref<!tpu.dma_semaphore, #tpu.memory_space<semaphore_mem>>) src(%arg3 : memref<32x1024xf32, #tpu.memory_space<vmem>>) dst(%dma_wait3A_58 : memref<32x1024xf32, #tpu.memory_space<hbm>>)
    %dma_wait3A_59 = arith.constant 0 : i32
    %dma_wait3A_60 = tpu.memref_slice %arg2[%add3A_15, %dma_wait3A_59] : memref<8192x1024xf32, #tpu.memory_space<hbm>> -> memref<32x1024xf32, #tpu.memory_space<hbm>>
    %dma_wait3A_61 = arith.constant 0 : i32
    %dma_wait3A_62 = tpu.memref_slice %arg2[%add3A_15, %dma_wait3A_61] : memref<8192x1024xf32, #tpu.memory_space<hbm>> -> memref<32x1024xf32, #tpu.memory_space<hbm>>
    tpu.wait_dma2 semaphore(%arg4 : memref<!tpu.dma_semaphore, #tpu.memory_space<semaphore_mem>>) src(%arg3 : memref<32x1024xf32, #tpu.memory_space<vmem>>) dst(%dma_wait3A_62 : memref<32x1024xf32, #tpu.memory_space<hbm>>)
    %dma_wait3A_63 = arith.constant 0 : i32
    %dma_wait3A_64 = tpu.memref_slice %arg2[%add3A_21, %dma_wait3A_63] : memref<8192x1024xf32, #tpu.memory_space<hbm>> -> memref<32x1024xf32, #tpu.memory_space<hbm>>
    %dma_wait3A_65 = arith.constant 0 : i32
    %dma_wait3A_66 = tpu.memref_slice %arg2[%add3A_21, %dma_wait3A_65] : memref<8192x1024xf32, #tpu.memory_space<hbm>> -> memref<32x1024xf32, #tpu.memory_space<hbm>>
    tpu.wait_dma2 semaphore(%arg4 : memref<!tpu.dma_semaphore, #tpu.memory_space<semaphore_mem>>) src(%arg3 : memref<32x1024xf32, #tpu.memory_space<vmem>>) dst(%dma_wait3A_66 : memref<32x1024xf32, #tpu.memory_space<hbm>>)
    %dma_wait3A_67 = arith.constant 0 : i32
    %dma_wait3A_68 = tpu.memref_slice %arg2[%add3A_27, %dma_wait3A_67] : memref<8192x1024xf32, #tpu.memory_space<hbm>> -> memref<32x1024xf32, #tpu.memory_space<hbm>>
    %dma_wait3A_69 = arith.constant 0 : i32
    %dma_wait3A_70 = tpu.memref_slice %arg2[%add3A_27, %dma_wait3A_69] : memref<8192x1024xf32, #tpu.memory_space<hbm>> -> memref<32x1024xf32, #tpu.memory_space<hbm>>
    tpu.wait_dma2 semaphore(%arg4 : memref<!tpu.dma_semaphore, #tpu.memory_space<semaphore_mem>>) src(%arg3 : memref<32x1024xf32, #tpu.memory_space<vmem>>) dst(%dma_wait3A_70 : memref<32x1024xf32, #tpu.memory_space<hbm>>)
    %dma_wait3A_71 = arith.constant 0 : i32
    %dma_wait3A_72 = tpu.memref_slice %arg2[%add3A_33, %dma_wait3A_71] : memref<8192x1024xf32, #tpu.memory_space<hbm>> -> memref<32x1024xf32, #tpu.memory_space<hbm>>
    %dma_wait3A_73 = arith.constant 0 : i32
    %dma_wait3A_74 = tpu.memref_slice %arg2[%add3A_33, %dma_wait3A_73] : memref<8192x1024xf32, #tpu.memory_space<hbm>> -> memref<32x1024xf32, #tpu.memory_space<hbm>>
    tpu.wait_dma2 semaphore(%arg4 : memref<!tpu.dma_semaphore, #tpu.memory_space<semaphore_mem>>) src(%arg3 : memref<32x1024xf32, #tpu.memory_space<vmem>>) dst(%dma_wait3A_74 : memref<32x1024xf32, #tpu.memory_space<hbm>>)
    %dma_wait3A_75 = arith.constant 0 : i32
    %dma_wait3A_76 = tpu.memref_slice %arg2[%add3A_39, %dma_wait3A_75] : memref<8192x1024xf32, #tpu.memory_space<hbm>> -> memref<32x1024xf32, #tpu.memory_space<hbm>>
    %dma_wait3A_77 = arith.constant 0 : i32
    %dma_wait3A_78 = tpu.memref_slice %arg2[%add3A_39, %dma_wait3A_77] : memref<8192x1024xf32, #tpu.memory_space<hbm>> -> memref<32x1024xf32, #tpu.memory_space<hbm>>
    tpu.wait_dma2 semaphore(%arg4 : memref<!tpu.dma_semaphore, #tpu.memory_space<semaphore_mem>>) src(%arg3 : memref<32x1024xf32, #tpu.memory_space<vmem>>) dst(%dma_wait3A_78 : memref<32x1024xf32, #tpu.memory_space<hbm>>)
    %dma_wait3A_79 = arith.constant 0 : i32
    %dma_wait3A_80 = tpu.memref_slice %arg2[%add3A_45, %dma_wait3A_79] : memref<8192x1024xf32, #tpu.memory_space<hbm>> -> memref<32x1024xf32, #tpu.memory_space<hbm>>
    %dma_wait3A_81 = arith.constant 0 : i32
    %dma_wait3A_82 = tpu.memref_slice %arg2[%add3A_45, %dma_wait3A_81] : memref<8192x1024xf32, #tpu.memory_space<hbm>> -> memref<32x1024xf32, #tpu.memory_space<hbm>>
    tpu.wait_dma2 semaphore(%arg4 : memref<!tpu.dma_semaphore, #tpu.memory_space<semaphore_mem>>) src(%arg3 : memref<32x1024xf32, #tpu.memory_space<vmem>>) dst(%dma_wait3A_82 : memref<32x1024xf32, #tpu.memory_space<hbm>>)
    %dma_wait3A_83 = arith.constant 0 : i32
    %dma_wait3A_84 = tpu.memref_slice %arg2[%add3A_51, %dma_wait3A_83] : memref<8192x1024xf32, #tpu.memory_space<hbm>> -> memref<32x1024xf32, #tpu.memory_space<hbm>>
    %dma_wait3A_85 = arith.constant 0 : i32
    %dma_wait3A_86 = tpu.memref_slice %arg2[%add3A_51, %dma_wait3A_85] : memref<8192x1024xf32, #tpu.memory_space<hbm>> -> memref<32x1024xf32, #tpu.memory_space<hbm>>
    tpu.wait_dma2 semaphore(%arg4 : memref<!tpu.dma_semaphore, #tpu.memory_space<semaphore_mem>>) src(%arg3 : memref<32x1024xf32, #tpu.memory_space<vmem>>) dst(%dma_wait3A_86 : memref<32x1024xf32, #tpu.memory_space<hbm>>)
    return
  }
}

module attributes {stable_mosaic.version = 14 : i64} {
  func.func @_router_expert_kernel(%arg0: i32, %arg1: memref<1024x1024xf32, #tpu.memory_space<vmem>>, %arg2: memref<8x1024xf32, #tpu.memory_space<vmem>>, %arg3: memref<8x1024xf32, #tpu.memory_space<vmem>>, %arg4: memref<1x8xf32, #tpu.memory_space<vmem>>, %arg5: memref<8x1xf32, #tpu.memory_space<vmem>>, %arg6: memref<1x1024x1024xf32, #tpu.memory_space<vmem>>, %arg7: memref<1x1x1024xf32, #tpu.memory_space<vmem>>, %arg8: memref<8x1024xf32, #tpu.memory_space<vmem>>, %arg9: memref<8x1024xf32, #tpu.memory_space<vmem>>, %arg10: memref<8x8x8xf32, #tpu.memory_space<vmem>>) attributes {dimension_semantics = [#tpu.dimension_semantics<arbitrary>], iteration_bounds = array<i64: 8>, scalar_prefetch = 0 : i64, scratch_operands = 1 : i64, tpu.core_type = #tpu.core_type<tc>, window_params = [{transform_indices = @transform_0, window_bounds = array<i64: 1024, 1024>}, {transform_indices = @transform_1, window_bounds = array<i64: 8, 1024>}, {pipeline_mode = #tpu.pipeline_mode<synchronous>, transform_indices = @transform_2, window_bounds = array<i64: 8, 1024>}, {pipeline_mode = #tpu.pipeline_mode<synchronous>, transform_indices = @transform_3, window_bounds = array<i64: 1, 8>}, {pipeline_mode = #tpu.pipeline_mode<synchronous>, transform_indices = @transform_4, window_bounds = array<i64: 8, 1>}, {transform_indices = @transform_5, window_bounds = array<i64: 1, 1024, 1024>}, {transform_indices = @transform_6, window_bounds = array<i64: 1, 1, 1024>}, {pipeline_mode = #tpu.pipeline_mode<synchronous>, transform_indices = @transform_7, window_bounds = array<i64: 8, 1024>}, {transform_indices = @transform_8, window_bounds = array<i64: 8, 1024>}]} {
    %get3A = arith.constant 0 : index
    %get3A_0 = arith.constant 0 : index
    %get3A_1 = vector.load %arg1[%get3A, %get3A_0] : memref<1024x1024xf32, #tpu.memory_space<vmem>>, vector<1024x1024xf32>
    %get3A_2 = arith.constant 0 : index
    %get3A_3 = arith.constant 0 : index
    %get3A_4 = vector.load %arg3[%get3A_2, %get3A_3] : memref<8x1024xf32, #tpu.memory_space<vmem>>, vector<8x1024xf32>
    %get3A_5 = arith.constant 0 : index
    %get3A_6 = arith.constant 0 : index
    %get3A_7 = vector.load %arg4[%get3A_5, %get3A_6] : memref<1x8xf32, #tpu.memory_space<vmem>>, vector<1x8xf32>
    %dot_general3A = arith.constant dense<0.000000e+00> : vector<8x1024xf32>
    %dot_general3A_8 = tpu.matmul %get3A_4, %get3A_1, %dot_general3A {dimension_numbers = #tpu.dot_dimension_numbers<[1], [1], [0], [0], [0, 0, 1, 0], [], []>, transpose_lhs_hint = false} : vector<8x1024xf32>, vector<1024x1024xf32>, vector<8x1024xf32> -> vector<8x1024xf32>
    %get3A_9 = arith.constant 0 : index
    %get3A_10 = arith.constant 0 : index
    %get3A_11 = vector.load %arg5[%get3A_9, %get3A_10] : memref<8x1xf32, #tpu.memory_space<vmem>>, vector<8x1xf32>
    %add3A = vector.broadcast %get3A_11 : vector<8x1xf32> to vector<8x1024xf32>
    %add3A_12 = arith.addf %dot_general3A_8, %add3A : vector<8x1024xf32>
    %swap3A = arith.constant 0 : index
    %swap3A_13 = arith.constant 0 : index
    %swap3A_14 = vector.load %arg9[%swap3A, %swap3A_13] : memref<8x1024xf32, #tpu.memory_space<vmem>>, vector<8x1024xf32>
    tpu.vector_store %arg9[%swap3A, %swap3A_13], %add3A_12 {strides = array<i32>} : memref<8x1024xf32, #tpu.memory_space<vmem>>, vector<8x1024xf32>,
    %get3A_15 = arith.constant 0 : index
    %get3A_16 = arith.constant 0 : index
    %get3A_17 = vector.load %arg2[%get3A_15, %get3A_16] : memref<8x1024xf32, #tpu.memory_space<vmem>>, vector<8x1024xf32>
    %eq3A = arith.constant 0 : i32
    %eq3A_18 = arith.cmpi eq, %arg0, %eq3A : i32
    %convert_element_type3A = arith.extui %eq3A_18 : i1 to i32
    %cond3A = arith.constant 0 : i32
    %cond3A_19 = arith.cmpi ne, %convert_element_type3A, %cond3A : i32
    scf.if %cond3A_19 {
      %dot_general3A_48 = arith.constant dense<0.000000e+00> : vector<8x8xf32>
      %dot_general3A_49 = tpu.matmul %get3A_17, %get3A_4, %dot_general3A_48 {dimension_numbers = #tpu.dot_dimension_numbers<[1], [1], [0], [0], [0, 0, 1, 0], [], []>, transpose_lhs_hint = false} : vector<8x1024xf32>, vector<8x1024xf32>, vector<8x8xf32> -> vector<8x8xf32>
      %add3A_50 = vector.broadcast %get3A_7 : vector<1x8xf32> to vector<8x8xf32>
      %add3A_51 = arith.addf %dot_general3A_49, %add3A_50 : vector<8x8xf32>
      %reduce_max3A = arith.constant dense<0xFF800000> : vector<8xf32>
      %reduce_max3A_52 = vector.multi_reduction <maximumf>, %add3A_51, %reduce_max3A [1] : vector<8x8xf32> to vector<8xf32>
      %broadcast_in_dim3A = vector.shape_cast %reduce_max3A_52 : vector<8xf32> to vector<8x1xf32>
      %sub3A = vector.broadcast %broadcast_in_dim3A : vector<8x1xf32> to vector<8x8xf32>
      %sub3A_53 = arith.subf %add3A_51, %sub3A : vector<8x8xf32>
      %exp3A = math.exp %sub3A_53 : vector<8x8xf32>
      %reduce_sum3A = arith.constant dense<0.000000e+00> : vector<8xf32>
      %reduce_sum3A_54 = vector.multi_reduction <add>, %exp3A, %reduce_sum3A [1] : vector<8x8xf32> to vector<8xf32>
      %broadcast_in_dim3A_55 = vector.shape_cast %reduce_sum3A_54 : vector<8xf32> to vector<8x1xf32>
      %div3A = vector.broadcast %broadcast_in_dim3A_55 : vector<8x1xf32> to vector<8x8xf32>
      %div3A_56 = arith.divf %exp3A, %div3A : vector<8x8xf32>
      %iota3A = tpu.iota {dimensions = array<i32: 1>} : vector<8x8xi32>
      %convert_element_type3A_57 = arith.sitofp %iota3A : vector<8x8xi32> to vector<8x8xf32>
      %iota3A_58 = tpu.iota {dimensions = array<i32: 0>} : vector<8x8xi32>
      %convert_element_type3A_59 = arith.sitofp %iota3A_58 : vector<8x8xi32> to vector<8x8xf32>
      %broadcast_in_dim3A_60 = arith.constant 0.000000e+00 : f32
      %broadcast_in_dim3A_61 = vector.broadcast %broadcast_in_dim3A_60 : f32 to vector<8x8xf32>
      %slice3A = vector.extract_strided_slice %div3A_56 {offsets = [0, 0], sizes = [8, 1], strides = [1, 1]} : vector<8x8xf32> to vector<8x1xf32>
      %gt3A = vector.broadcast %slice3A : vector<8x1xf32> to vector<8x8xf32>
      %gt3A_62 = arith.cmpf ogt, %gt3A, %div3A_56 : vector<8x8xf32>
      %eq3A_63 = vector.broadcast %slice3A : vector<8x1xf32> to vector<8x8xf32>
      %eq3A_64 = arith.cmpf oeq, %eq3A_63, %div3A_56 : vector<8x8xf32>
      %gt3A_65 = arith.constant 0.000000e+00 : f32
      %gt3A_66 = vector.broadcast %gt3A_65 : f32 to vector<8x8xf32>
      %gt3A_67 = arith.cmpf ogt, %convert_element_type3A_57, %gt3A_66 : vector<8x8xf32>
      %and3A = arith.andi %eq3A_64, %gt3A_67 : vector<8x8xi1>
      %or3A = arith.ori %gt3A_62, %and3A : vector<8x8xi1>
      %jit3A = arith.constant 1.000000e+00 : f32
      %jit3A_68 = arith.constant 0.000000e+00 : f32
      %broadcast_in_dim3A_69 = vector.broadcast %jit3A : f32 to vector<8x8xf32>
      %broadcast_in_dim3A_70 = vector.broadcast %jit3A_68 : f32 to vector<8x8xf32>
      %select_n3A = arith.select %or3A, %broadcast_in_dim3A_69, %broadcast_in_dim3A_70 : vector<8x8xi1>, vector<8x8xf32>
      %add3A_71 = arith.addf %broadcast_in_dim3A_61, %select_n3A : vector<8x8xf32>
      %slice3A_72 = vector.extract_strided_slice %div3A_56 {offsets = [0, 1], sizes = [8, 1], strides = [1, 1]} : vector<8x8xf32> to vector<8x1xf32>
      %gt3A_73 = vector.broadcast %slice3A_72 : vector<8x1xf32> to vector<8x8xf32>
      %gt3A_74 = arith.cmpf ogt, %gt3A_73, %div3A_56 : vector<8x8xf32>
      %eq3A_75 = vector.broadcast %slice3A_72 : vector<8x1xf32> to vector<8x8xf32>
      %eq3A_76 = arith.cmpf oeq, %eq3A_75, %div3A_56 : vector<8x8xf32>
      %gt3A_77 = arith.constant 1.000000e+00 : f32
      %gt3A_78 = vector.broadcast %gt3A_77 : f32 to vector<8x8xf32>
      %gt3A_79 = arith.cmpf ogt, %convert_element_type3A_57, %gt3A_78 : vector<8x8xf32>
      %and3A_80 = arith.andi %eq3A_76, %gt3A_79 : vector<8x8xi1>
      %or3A_81 = arith.ori %gt3A_74, %and3A_80 : vector<8x8xi1>
      %jit3A_82 = arith.constant 1.000000e+00 : f32
      %jit3A_83 = arith.constant 0.000000e+00 : f32
      %broadcast_in_dim3A_84 = vector.broadcast %jit3A_82 : f32 to vector<8x8xf32>
      %broadcast_in_dim3A_85 = vector.broadcast %jit3A_83 : f32 to vector<8x8xf32>
      %select_n3A_86 = arith.select %or3A_81, %broadcast_in_dim3A_84, %broadcast_in_dim3A_85 : vector<8x8xi1>, vector<8x8xf32>
      %add3A_87 = arith.addf %add3A_71, %select_n3A_86 : vector<8x8xf32>
      %slice3A_88 = vector.extract_strided_slice %div3A_56 {offsets = [0, 2], sizes = [8, 1], strides = [1, 1]} : vector<8x8xf32> to vector<8x1xf32>
      %gt3A_89 = vector.broadcast %slice3A_88 : vector<8x1xf32> to vector<8x8xf32>
      %gt3A_90 = arith.cmpf ogt, %gt3A_89, %div3A_56 : vector<8x8xf32>
      %eq3A_91 = vector.broadcast %slice3A_88 : vector<8x1xf32> to vector<8x8xf32>
      %eq3A_92 = arith.cmpf oeq, %eq3A_91, %div3A_56 : vector<8x8xf32>
      %gt3A_93 = arith.constant 2.000000e+00 : f32
      %gt3A_94 = vector.broadcast %gt3A_93 : f32 to vector<8x8xf32>
      %gt3A_95 = arith.cmpf ogt, %convert_element_type3A_57, %gt3A_94 : vector<8x8xf32>
      %and3A_96 = arith.andi %eq3A_92, %gt3A_95 : vector<8x8xi1>
      %or3A_97 = arith.ori %gt3A_90, %and3A_96 : vector<8x8xi1>
      %jit3A_98 = arith.constant 1.000000e+00 : f32
      %jit3A_99 = arith.constant 0.000000e+00 : f32
      %broadcast_in_dim3A_100 = vector.broadcast %jit3A_98 : f32 to vector<8x8xf32>
      %broadcast_in_dim3A_101 = vector.broadcast %jit3A_99 : f32 to vector<8x8xf32>
      %select_n3A_102 = arith.select %or3A_97, %broadcast_in_dim3A_100, %broadcast_in_dim3A_101 : vector<8x8xi1>, vector<8x8xf32>
      %add3A_103 = arith.addf %add3A_87, %select_n3A_102 : vector<8x8xf32>
      %slice3A_104 = vector.extract_strided_slice %div3A_56 {offsets = [0, 3], sizes = [8, 1], strides = [1, 1]} : vector<8x8xf32> to vector<8x1xf32>
      %gt3A_105 = vector.broadcast %slice3A_104 : vector<8x1xf32> to vector<8x8xf32>
      %gt3A_106 = arith.cmpf ogt, %gt3A_105, %div3A_56 : vector<8x8xf32>
      %eq3A_107 = vector.broadcast %slice3A_104 : vector<8x1xf32> to vector<8x8xf32>
      %eq3A_108 = arith.cmpf oeq, %eq3A_107, %div3A_56 : vector<8x8xf32>
      %gt3A_109 = arith.constant 3.000000e+00 : f32
      %gt3A_110 = vector.broadcast %gt3A_109 : f32 to vector<8x8xf32>
      %gt3A_111 = arith.cmpf ogt, %convert_element_type3A_57, %gt3A_110 : vector<8x8xf32>
      %and3A_112 = arith.andi %eq3A_108, %gt3A_111 : vector<8x8xi1>
      %or3A_113 = arith.ori %gt3A_106, %and3A_112 : vector<8x8xi1>
      %jit3A_114 = arith.constant 1.000000e+00 : f32
      %jit3A_115 = arith.constant 0.000000e+00 : f32
      %broadcast_in_dim3A_116 = vector.broadcast %jit3A_114 : f32 to vector<8x8xf32>
      %broadcast_in_dim3A_117 = vector.broadcast %jit3A_115 : f32 to vector<8x8xf32>
      %select_n3A_118 = arith.select %or3A_113, %broadcast_in_dim3A_116, %broadcast_in_dim3A_117 : vector<8x8xi1>, vector<8x8xf32>
      %add3A_119 = arith.addf %add3A_103, %select_n3A_118 : vector<8x8xf32>
      %slice3A_120 = vector.extract_strided_slice %div3A_56 {offsets = [0, 4], sizes = [8, 1], strides = [1, 1]} : vector<8x8xf32> to vector<8x1xf32>
      %gt3A_121 = vector.broadcast %slice3A_120 : vector<8x1xf32> to vector<8x8xf32>
      %gt3A_122 = arith.cmpf ogt, %gt3A_121, %div3A_56 : vector<8x8xf32>
      %eq3A_123 = vector.broadcast %slice3A_120 : vector<8x1xf32> to vector<8x8xf32>
      %eq3A_124 = arith.cmpf oeq, %eq3A_123, %div3A_56 : vector<8x8xf32>
      %gt3A_125 = arith.constant 4.000000e+00 : f32
      %gt3A_126 = vector.broadcast %gt3A_125 : f32 to vector<8x8xf32>
      %gt3A_127 = arith.cmpf ogt, %convert_element_type3A_57, %gt3A_126 : vector<8x8xf32>
      %and3A_128 = arith.andi %eq3A_124, %gt3A_127 : vector<8x8xi1>
      %or3A_129 = arith.ori %gt3A_122, %and3A_128 : vector<8x8xi1>
      %jit3A_130 = arith.constant 1.000000e+00 : f32
      %jit3A_131 = arith.constant 0.000000e+00 : f32
      %broadcast_in_dim3A_132 = vector.broadcast %jit3A_130 : f32 to vector<8x8xf32>
      %broadcast_in_dim3A_133 = vector.broadcast %jit3A_131 : f32 to vector<8x8xf32>
      %select_n3A_134 = arith.select %or3A_129, %broadcast_in_dim3A_132, %broadcast_in_dim3A_133 : vector<8x8xi1>, vector<8x8xf32>
      %add3A_135 = arith.addf %add3A_119, %select_n3A_134 : vector<8x8xf32>
      %slice3A_136 = vector.extract_strided_slice %div3A_56 {offsets = [0, 5], sizes = [8, 1], strides = [1, 1]} : vector<8x8xf32> to vector<8x1xf32>
      %gt3A_137 = vector.broadcast %slice3A_136 : vector<8x1xf32> to vector<8x8xf32>
      %gt3A_138 = arith.cmpf ogt, %gt3A_137, %div3A_56 : vector<8x8xf32>
      %eq3A_139 = vector.broadcast %slice3A_136 : vector<8x1xf32> to vector<8x8xf32>
      %eq3A_140 = arith.cmpf oeq, %eq3A_139, %div3A_56 : vector<8x8xf32>
      %gt3A_141 = arith.constant 5.000000e+00 : f32
      %gt3A_142 = vector.broadcast %gt3A_141 : f32 to vector<8x8xf32>
      %gt3A_143 = arith.cmpf ogt, %convert_element_type3A_57, %gt3A_142 : vector<8x8xf32>
      %and3A_144 = arith.andi %eq3A_140, %gt3A_143 : vector<8x8xi1>
      %or3A_145 = arith.ori %gt3A_138, %and3A_144 : vector<8x8xi1>
      %jit3A_146 = arith.constant 1.000000e+00 : f32
      %jit3A_147 = arith.constant 0.000000e+00 : f32
      %broadcast_in_dim3A_148 = vector.broadcast %jit3A_146 : f32 to vector<8x8xf32>
      %broadcast_in_dim3A_149 = vector.broadcast %jit3A_147 : f32 to vector<8x8xf32>
      %select_n3A_150 = arith.select %or3A_145, %broadcast_in_dim3A_148, %broadcast_in_dim3A_149 : vector<8x8xi1>, vector<8x8xf32>
      %add3A_151 = arith.addf %add3A_135, %select_n3A_150 : vector<8x8xf32>
      %slice3A_152 = vector.extract_strided_slice %div3A_56 {offsets = [0, 6], sizes = [8, 1], strides = [1, 1]} : vector<8x8xf32> to vector<8x1xf32>
      %gt3A_153 = vector.broadcast %slice3A_152 : vector<8x1xf32> to vector<8x8xf32>
      %gt3A_154 = arith.cmpf ogt, %gt3A_153, %div3A_56 : vector<8x8xf32>
      %eq3A_155 = vector.broadcast %slice3A_152 : vector<8x1xf32> to vector<8x8xf32>
      %eq3A_156 = arith.cmpf oeq, %eq3A_155, %div3A_56 : vector<8x8xf32>
      %gt3A_157 = arith.constant 6.000000e+00 : f32
      %gt3A_158 = vector.broadcast %gt3A_157 : f32 to vector<8x8xf32>
      %gt3A_159 = arith.cmpf ogt, %convert_element_type3A_57, %gt3A_158 : vector<8x8xf32>
      %and3A_160 = arith.andi %eq3A_156, %gt3A_159 : vector<8x8xi1>
      %or3A_161 = arith.ori %gt3A_154, %and3A_160 : vector<8x8xi1>
      %jit3A_162 = arith.constant 1.000000e+00 : f32
      %jit3A_163 = arith.constant 0.000000e+00 : f32
      %broadcast_in_dim3A_164 = vector.broadcast %jit3A_162 : f32 to vector<8x8xf32>
      %broadcast_in_dim3A_165 = vector.broadcast %jit3A_163 : f32 to vector<8x8xf32>
      %select_n3A_166 = arith.select %or3A_161, %broadcast_in_dim3A_164, %broadcast_in_dim3A_165 : vector<8x8xi1>, vector<8x8xf32>
      %add3A_167 = arith.addf %add3A_151, %select_n3A_166 : vector<8x8xf32>
      %slice3A_168 = vector.extract_strided_slice %div3A_56 {offsets = [0, 7], sizes = [8, 1], strides = [1, 1]} : vector<8x8xf32> to vector<8x1xf32>
      %gt3A_169 = vector.broadcast %slice3A_168 : vector<8x1xf32> to vector<8x8xf32>
      %gt3A_170 = arith.cmpf ogt, %gt3A_169, %div3A_56 : vector<8x8xf32>
      %eq3A_171 = vector.broadcast %slice3A_168 : vector<8x1xf32> to vector<8x8xf32>
      %eq3A_172 = arith.cmpf oeq, %eq3A_171, %div3A_56 : vector<8x8xf32>
      %gt3A_173 = arith.constant 7.000000e+00 : f32
      %gt3A_174 = vector.broadcast %gt3A_173 : f32 to vector<8x8xf32>
      %gt3A_175 = arith.cmpf ogt, %convert_element_type3A_57, %gt3A_174 : vector<8x8xf32>
      %and3A_176 = arith.andi %eq3A_172, %gt3A_175 : vector<8x8xi1>
      %or3A_177 = arith.ori %gt3A_170, %and3A_176 : vector<8x8xi1>
      %jit3A_178 = arith.constant 1.000000e+00 : f32
      %jit3A_179 = arith.constant 0.000000e+00 : f32
      %broadcast_in_dim3A_180 = vector.broadcast %jit3A_178 : f32 to vector<8x8xf32>
      %broadcast_in_dim3A_181 = vector.broadcast %jit3A_179 : f32 to vector<8x8xf32>
      %select_n3A_182 = arith.select %or3A_177, %broadcast_in_dim3A_180, %broadcast_in_dim3A_181 : vector<8x8xi1>, vector<8x8xf32>
      %add3A_183 = arith.addf %add3A_167, %select_n3A_182 : vector<8x8xf32>
      %broadcast_in_dim3A_184 = arith.constant 0.000000e+00 : f32
      %broadcast_in_dim3A_185 = vector.broadcast %broadcast_in_dim3A_184 : f32 to vector<8x8xf32>
      %slice3A_186 = vector.extract_strided_slice %add3A_183 {offsets = [0, 0], sizes = [8, 1], strides = [1, 1]} : vector<8x8xf32> to vector<8x1xf32>
      %eq3A_187 = vector.broadcast %slice3A_186 : vector<8x1xf32> to vector<8x8xf32>
      %eq3A_188 = arith.cmpf oeq, %eq3A_187, %convert_element_type3A_57 : vector<8x8xf32>
      %slice3A_189 = vector.extract_strided_slice %div3A_56 {offsets = [0, 0], sizes = [8, 1], strides = [1, 1]} : vector<8x8xf32> to vector<8x1xf32>
      %jit3A_190 = arith.constant 0.000000e+00 : f32
      %broadcast_in_dim3A_191 = vector.shape_cast %slice3A_189 : vector<8x1xf32> to vector<8x1xf32>
      %broadcast_in_dim3A_192 = vector.broadcast %broadcast_in_dim3A_191 : vector<8x1xf32> to vector<8x8xf32>
      %broadcast_in_dim3A_193 = vector.broadcast %jit3A_190 : f32 to vector<8x8xf32>
      %select_n3A_194 = arith.select %eq3A_188, %broadcast_in_dim3A_192, %broadcast_in_dim3A_193 : vector<8x8xi1>, vector<8x8xf32>
      %add3A_195 = arith.addf %broadcast_in_dim3A_185, %select_n3A_194 : vector<8x8xf32>
      %slice3A_196 = vector.extract_strided_slice %add3A_183 {offsets = [0, 1], sizes = [8, 1], strides = [1, 1]} : vector<8x8xf32> to vector<8x1xf32>
      %eq3A_197 = vector.broadcast %slice3A_196 : vector<8x1xf32> to vector<8x8xf32>
      %eq3A_198 = arith.cmpf oeq, %eq3A_197, %convert_element_type3A_57 : vector<8x8xf32>
      %slice3A_199 = vector.extract_strided_slice %div3A_56 {offsets = [0, 1], sizes = [8, 1], strides = [1, 1]} : vector<8x8xf32> to vector<8x1xf32>
      %jit3A_200 = arith.constant 0.000000e+00 : f32
      %broadcast_in_dim3A_201 = vector.shape_cast %slice3A_199 : vector<8x1xf32> to vector<8x1xf32>
      %broadcast_in_dim3A_202 = vector.broadcast %broadcast_in_dim3A_201 : vector<8x1xf32> to vector<8x8xf32>
      %broadcast_in_dim3A_203 = vector.broadcast %jit3A_200 : f32 to vector<8x8xf32>
      %select_n3A_204 = arith.select %eq3A_198, %broadcast_in_dim3A_202, %broadcast_in_dim3A_203 : vector<8x8xi1>, vector<8x8xf32>
      %add3A_205 = arith.addf %add3A_195, %select_n3A_204 : vector<8x8xf32>
      %slice3A_206 = vector.extract_strided_slice %add3A_183 {offsets = [0, 2], sizes = [8, 1], strides = [1, 1]} : vector<8x8xf32> to vector<8x1xf32>
      %eq3A_207 = vector.broadcast %slice3A_206 : vector<8x1xf32> to vector<8x8xf32>
      %eq3A_208 = arith.cmpf oeq, %eq3A_207, %convert_element_type3A_57 : vector<8x8xf32>
      %slice3A_209 = vector.extract_strided_slice %div3A_56 {offsets = [0, 2], sizes = [8, 1], strides = [1, 1]} : vector<8x8xf32> to vector<8x1xf32>
      %jit3A_210 = arith.constant 0.000000e+00 : f32
      %broadcast_in_dim3A_211 = vector.shape_cast %slice3A_209 : vector<8x1xf32> to vector<8x1xf32>
      %broadcast_in_dim3A_212 = vector.broadcast %broadcast_in_dim3A_211 : vector<8x1xf32> to vector<8x8xf32>
      %broadcast_in_dim3A_213 = vector.broadcast %jit3A_210 : f32 to vector<8x8xf32>
      %select_n3A_214 = arith.select %eq3A_208, %broadcast_in_dim3A_212, %broadcast_in_dim3A_213 : vector<8x8xi1>, vector<8x8xf32>
      %add3A_215 = arith.addf %add3A_205, %select_n3A_214 : vector<8x8xf32>
      %slice3A_216 = vector.extract_strided_slice %add3A_183 {offsets = [0, 3], sizes = [8, 1], strides = [1, 1]} : vector<8x8xf32> to vector<8x1xf32>
      %eq3A_217 = vector.broadcast %slice3A_216 : vector<8x1xf32> to vector<8x8xf32>
      %eq3A_218 = arith.cmpf oeq, %eq3A_217, %convert_element_type3A_57 : vector<8x8xf32>
      %slice3A_219 = vector.extract_strided_slice %div3A_56 {offsets = [0, 3], sizes = [8, 1], strides = [1, 1]} : vector<8x8xf32> to vector<8x1xf32>
      %jit3A_220 = arith.constant 0.000000e+00 : f32
      %broadcast_in_dim3A_221 = vector.shape_cast %slice3A_219 : vector<8x1xf32> to vector<8x1xf32>
      %broadcast_in_dim3A_222 = vector.broadcast %broadcast_in_dim3A_221 : vector<8x1xf32> to vector<8x8xf32>
      %broadcast_in_dim3A_223 = vector.broadcast %jit3A_220 : f32 to vector<8x8xf32>
      %select_n3A_224 = arith.select %eq3A_218, %broadcast_in_dim3A_222, %broadcast_in_dim3A_223 : vector<8x8xi1>, vector<8x8xf32>
      %add3A_225 = arith.addf %add3A_215, %select_n3A_224 : vector<8x8xf32>
      %slice3A_226 = vector.extract_strided_slice %add3A_183 {offsets = [0, 4], sizes = [8, 1], strides = [1, 1]} : vector<8x8xf32> to vector<8x1xf32>
      %eq3A_227 = vector.broadcast %slice3A_226 : vector<8x1xf32> to vector<8x8xf32>
      %eq3A_228 = arith.cmpf oeq, %eq3A_227, %convert_element_type3A_57 : vector<8x8xf32>
      %slice3A_229 = vector.extract_strided_slice %div3A_56 {offsets = [0, 4], sizes = [8, 1], strides = [1, 1]} : vector<8x8xf32> to vector<8x1xf32>
      %jit3A_230 = arith.constant 0.000000e+00 : f32
      %broadcast_in_dim3A_231 = vector.shape_cast %slice3A_229 : vector<8x1xf32> to vector<8x1xf32>
      %broadcast_in_dim3A_232 = vector.broadcast %broadcast_in_dim3A_231 : vector<8x1xf32> to vector<8x8xf32>
      %broadcast_in_dim3A_233 = vector.broadcast %jit3A_230 : f32 to vector<8x8xf32>
      %select_n3A_234 = arith.select %eq3A_228, %broadcast_in_dim3A_232, %broadcast_in_dim3A_233 : vector<8x8xi1>, vector<8x8xf32>
      %add3A_235 = arith.addf %add3A_225, %select_n3A_234 : vector<8x8xf32>
      %slice3A_236 = vector.extract_strided_slice %add3A_183 {offsets = [0, 5], sizes = [8, 1], strides = [1, 1]} : vector<8x8xf32> to vector<8x1xf32>
      %eq3A_237 = vector.broadcast %slice3A_236 : vector<8x1xf32> to vector<8x8xf32>
      %eq3A_238 = arith.cmpf oeq, %eq3A_237, %convert_element_type3A_57 : vector<8x8xf32>
      %slice3A_239 = vector.extract_strided_slice %div3A_56 {offsets = [0, 5], sizes = [8, 1], strides = [1, 1]} : vector<8x8xf32> to vector<8x1xf32>
      %jit3A_240 = arith.constant 0.000000e+00 : f32
      %broadcast_in_dim3A_241 = vector.shape_cast %slice3A_239 : vector<8x1xf32> to vector<8x1xf32>
      %broadcast_in_dim3A_242 = vector.broadcast %broadcast_in_dim3A_241 : vector<8x1xf32> to vector<8x8xf32>
      %broadcast_in_dim3A_243 = vector.broadcast %jit3A_240 : f32 to vector<8x8xf32>
      %select_n3A_244 = arith.select %eq3A_238, %broadcast_in_dim3A_242, %broadcast_in_dim3A_243 : vector<8x8xi1>, vector<8x8xf32>
      %add3A_245 = arith.addf %add3A_235, %select_n3A_244 : vector<8x8xf32>
      %slice3A_246 = vector.extract_strided_slice %add3A_183 {offsets = [0, 6], sizes = [8, 1], strides = [1, 1]} : vector<8x8xf32> to vector<8x1xf32>
      %eq3A_247 = vector.broadcast %slice3A_246 : vector<8x1xf32> to vector<8x8xf32>
      %eq3A_248 = arith.cmpf oeq, %eq3A_247, %convert_element_type3A_57 : vector<8x8xf32>
      %slice3A_249 = vector.extract_strided_slice %div3A_56 {offsets = [0, 6], sizes = [8, 1], strides = [1, 1]} : vector<8x8xf32> to vector<8x1xf32>
      %jit3A_250 = arith.constant 0.000000e+00 : f32
      %broadcast_in_dim3A_251 = vector.shape_cast %slice3A_249 : vector<8x1xf32> to vector<8x1xf32>
      %broadcast_in_dim3A_252 = vector.broadcast %broadcast_in_dim3A_251 : vector<8x1xf32> to vector<8x8xf32>
      %broadcast_in_dim3A_253 = vector.broadcast %jit3A_250 : f32 to vector<8x8xf32>
      %select_n3A_254 = arith.select %eq3A_248, %broadcast_in_dim3A_252, %broadcast_in_dim3A_253 : vector<8x8xi1>, vector<8x8xf32>
      %add3A_255 = arith.addf %add3A_245, %select_n3A_254 : vector<8x8xf32>
      %slice3A_256 = vector.extract_strided_slice %add3A_183 {offsets = [0, 7], sizes = [8, 1], strides = [1, 1]} : vector<8x8xf32> to vector<8x1xf32>
      %eq3A_257 = vector.broadcast %slice3A_256 : vector<8x1xf32> to vector<8x8xf32>
      %eq3A_258 = arith.cmpf oeq, %eq3A_257, %convert_element_type3A_57 : vector<8x8xf32>
      %slice3A_259 = vector.extract_strided_slice %div3A_56 {offsets = [0, 7], sizes = [8, 1], strides = [1, 1]} : vector<8x8xf32> to vector<8x1xf32>
      %jit3A_260 = arith.constant 0.000000e+00 : f32
      %broadcast_in_dim3A_261 = vector.shape_cast %slice3A_259 : vector<8x1xf32> to vector<8x1xf32>
      %broadcast_in_dim3A_262 = vector.broadcast %broadcast_in_dim3A_261 : vector<8x1xf32> to vector<8x8xf32>
      %broadcast_in_dim3A_263 = vector.broadcast %jit3A_260 : f32 to vector<8x8xf32>
      %select_n3A_264 = arith.select %eq3A_258, %broadcast_in_dim3A_262, %broadcast_in_dim3A_263 : vector<8x8xi1>, vector<8x8xf32>
      %add3A_265 = arith.addf %add3A_255, %select_n3A_264 : vector<8x8xf32>
      %reduce_sum3A_266 = arith.constant dense<0.000000e+00> : vector<8xf32>
      %reduce_sum3A_267 = vector.multi_reduction <add>, %add3A_265, %reduce_sum3A_266 [1] : vector<8x8xf32> to vector<8xf32>
      %broadcast_in_dim3A_268 = vector.shape_cast %reduce_sum3A_267 : vector<8xf32> to vector<8x1xf32>
      %div3A_269 = vector.broadcast %broadcast_in_dim3A_268 : vector<8x1xf32> to vector<8x8xf32>
      %div3A_270 = arith.divf %add3A_265, %div3A_269 : vector<8x8xf32>
      %slice3A_271 = vector.extract_strided_slice %add3A_183 {offsets = [0, 0], sizes = [1, 8], strides = [1, 1]} : vector<8x8xf32> to vector<1x8xf32>
      %eq3A_272 = vector.broadcast %slice3A_271 : vector<1x8xf32> to vector<8x8xf32>
      %eq3A_273 = arith.cmpf oeq, %eq3A_272, %convert_element_type3A_59 : vector<8x8xf32>
      %jit3A_274 = arith.constant 1.000000e+00 : f32
      %jit3A_275 = arith.constant 0.000000e+00 : f32
      %broadcast_in_dim3A_276 = vector.broadcast %jit3A_274 : f32 to vector<8x8xf32>
      %broadcast_in_dim3A_277 = vector.broadcast %jit3A_275 : f32 to vector<8x8xf32>
      %select_n3A_278 = arith.select %eq3A_273, %broadcast_in_dim3A_276, %broadcast_in_dim3A_277 : vector<8x8xi1>, vector<8x8xf32>
      %mul3A = arith.mulf %div3A_270, %select_n3A_278 : vector<8x8xf32>
      %swap3A_279 = arith.constant 0 : index
      %swap3A_280 = arith.constant 0 : index
      %swap3A_281 = arith.constant 0 : index
      %swap3A_282 = vector.load %arg10[%swap3A_279, %swap3A_280, %swap3A_281] : memref<8x8x8xf32, #tpu.memory_space<vmem>>, vector<1x8x8xf32>
      %swap3A_283 = vector.shape_cast %swap3A_282 : vector<1x8x8xf32> to vector<8x8xf32>
      %swap3A_284 = vector.shape_cast %mul3A : vector<8x8xf32> to vector<1x8x8xf32>
      tpu.vector_store %arg10[%swap3A_279, %swap3A_280, %swap3A_281], %swap3A_284 {strides = array<i32>} : memref<8x8x8xf32, #tpu.memory_space<vmem>>, vector<1x8x8xf32>,
      %slice3A_285 = vector.extract_strided_slice %add3A_183 {offsets = [1, 0], sizes = [1, 8], strides = [1, 1]} : vector<8x8xf32> to vector<1x8xf32>
      %eq3A_286 = vector.broadcast %slice3A_285 : vector<1x8xf32> to vector<8x8xf32>
      %eq3A_287 = arith.cmpf oeq, %eq3A_286, %convert_element_type3A_59 : vector<8x8xf32>
      %jit3A_288 = arith.constant 1.000000e+00 : f32
      %jit3A_289 = arith.constant 0.000000e+00 : f32
      %broadcast_in_dim3A_290 = vector.broadcast %jit3A_288 : f32 to vector<8x8xf32>
      %broadcast_in_dim3A_291 = vector.broadcast %jit3A_289 : f32 to vector<8x8xf32>
      %select_n3A_292 = arith.select %eq3A_287, %broadcast_in_dim3A_290, %broadcast_in_dim3A_291 : vector<8x8xi1>, vector<8x8xf32>
      %mul3A_293 = arith.mulf %div3A_270, %select_n3A_292 : vector<8x8xf32>
      %swap3A_294 = arith.constant 1 : index
      %swap3A_295 = arith.constant 0 : index
      %swap3A_296 = arith.constant 0 : index
      %swap3A_297 = vector.load %arg10[%swap3A_294, %swap3A_295, %swap3A_296] : memref<8x8x8xf32, #tpu.memory_space<vmem>>, vector<1x8x8xf32>
      %swap3A_298 = vector.shape_cast %swap3A_297 : vector<1x8x8xf32> to vector<8x8xf32>
      %swap3A_299 = vector.shape_cast %mul3A_293 : vector<8x8xf32> to vector<1x8x8xf32>
      tpu.vector_store %arg10[%swap3A_294, %swap3A_295, %swap3A_296], %swap3A_299 {strides = array<i32>} : memref<8x8x8xf32, #tpu.memory_space<vmem>>, vector<1x8x8xf32>,
      %slice3A_300 = vector.extract_strided_slice %add3A_183 {offsets = [2, 0], sizes = [1, 8], strides = [1, 1]} : vector<8x8xf32> to vector<1x8xf32>
      %eq3A_301 = vector.broadcast %slice3A_300 : vector<1x8xf32> to vector<8x8xf32>
      %eq3A_302 = arith.cmpf oeq, %eq3A_301, %convert_element_type3A_59 : vector<8x8xf32>
      %jit3A_303 = arith.constant 1.000000e+00 : f32
      %jit3A_304 = arith.constant 0.000000e+00 : f32
      %broadcast_in_dim3A_305 = vector.broadcast %jit3A_303 : f32 to vector<8x8xf32>
      %broadcast_in_dim3A_306 = vector.broadcast %jit3A_304 : f32 to vector<8x8xf32>
      %select_n3A_307 = arith.select %eq3A_302, %broadcast_in_dim3A_305, %broadcast_in_dim3A_306 : vector<8x8xi1>, vector<8x8xf32>
      %mul3A_308 = arith.mulf %div3A_270, %select_n3A_307 : vector<8x8xf32>
      %swap3A_309 = arith.constant 2 : index
      %swap3A_310 = arith.constant 0 : index
      %swap3A_311 = arith.constant 0 : index
      %swap3A_312 = vector.load %arg10[%swap3A_309, %swap3A_310, %swap3A_311] : memref<8x8x8xf32, #tpu.memory_space<vmem>>, vector<1x8x8xf32>
      %swap3A_313 = vector.shape_cast %swap3A_312 : vector<1x8x8xf32> to vector<8x8xf32>
      %swap3A_314 = vector.shape_cast %mul3A_308 : vector<8x8xf32> to vector<1x8x8xf32>
      tpu.vector_store %arg10[%swap3A_309, %swap3A_310, %swap3A_311], %swap3A_314 {strides = array<i32>} : memref<8x8x8xf32, #tpu.memory_space<vmem>>, vector<1x8x8xf32>,
      %slice3A_315 = vector.extract_strided_slice %add3A_183 {offsets = [3, 0], sizes = [1, 8], strides = [1, 1]} : vector<8x8xf32> to vector<1x8xf32>
      %eq3A_316 = vector.broadcast %slice3A_315 : vector<1x8xf32> to vector<8x8xf32>
      %eq3A_317 = arith.cmpf oeq, %eq3A_316, %convert_element_type3A_59 : vector<8x8xf32>
      %jit3A_318 = arith.constant 1.000000e+00 : f32
      %jit3A_319 = arith.constant 0.000000e+00 : f32
      %broadcast_in_dim3A_320 = vector.broadcast %jit3A_318 : f32 to vector<8x8xf32>
      %broadcast_in_dim3A_321 = vector.broadcast %jit3A_319 : f32 to vector<8x8xf32>
      %select_n3A_322 = arith.select %eq3A_317, %broadcast_in_dim3A_320, %broadcast_in_dim3A_321 : vector<8x8xi1>, vector<8x8xf32>
      %mul3A_323 = arith.mulf %div3A_270, %select_n3A_322 : vector<8x8xf32>
      %swap3A_324 = arith.constant 3 : index
      %swap3A_325 = arith.constant 0 : index
      %swap3A_326 = arith.constant 0 : index
      %swap3A_327 = vector.load %arg10[%swap3A_324, %swap3A_325, %swap3A_326] : memref<8x8x8xf32, #tpu.memory_space<vmem>>, vector<1x8x8xf32>
      %swap3A_328 = vector.shape_cast %swap3A_327 : vector<1x8x8xf32> to vector<8x8xf32>
      %swap3A_329 = vector.shape_cast %mul3A_323 : vector<8x8xf32> to vector<1x8x8xf32>
      tpu.vector_store %arg10[%swap3A_324, %swap3A_325, %swap3A_326], %swap3A_329 {strides = array<i32>} : memref<8x8x8xf32, #tpu.memory_space<vmem>>, vector<1x8x8xf32>,
      %slice3A_330 = vector.extract_strided_slice %add3A_183 {offsets = [4, 0], sizes = [1, 8], strides = [1, 1]} : vector<8x8xf32> to vector<1x8xf32>
      %eq3A_331 = vector.broadcast %slice3A_330 : vector<1x8xf32> to vector<8x8xf32>
      %eq3A_332 = arith.cmpf oeq, %eq3A_331, %convert_element_type3A_59 : vector<8x8xf32>
      %jit3A_333 = arith.constant 1.000000e+00 : f32
      %jit3A_334 = arith.constant 0.000000e+00 : f32
      %broadcast_in_dim3A_335 = vector.broadcast %jit3A_333 : f32 to vector<8x8xf32>
      %broadcast_in_dim3A_336 = vector.broadcast %jit3A_334 : f32 to vector<8x8xf32>
      %select_n3A_337 = arith.select %eq3A_332, %broadcast_in_dim3A_335, %broadcast_in_dim3A_336 : vector<8x8xi1>, vector<8x8xf32>
      %mul3A_338 = arith.mulf %div3A_270, %select_n3A_337 : vector<8x8xf32>
      %swap3A_339 = arith.constant 4 : index
      %swap3A_340 = arith.constant 0 : index
      %swap3A_341 = arith.constant 0 : index
      %swap3A_342 = vector.load %arg10[%swap3A_339, %swap3A_340, %swap3A_341] : memref<8x8x8xf32, #tpu.memory_space<vmem>>, vector<1x8x8xf32>
      %swap3A_343 = vector.shape_cast %swap3A_342 : vector<1x8x8xf32> to vector<8x8xf32>
      %swap3A_344 = vector.shape_cast %mul3A_338 : vector<8x8xf32> to vector<1x8x8xf32>
      tpu.vector_store %arg10[%swap3A_339, %swap3A_340, %swap3A_341], %swap3A_344 {strides = array<i32>} : memref<8x8x8xf32, #tpu.memory_space<vmem>>, vector<1x8x8xf32>,
      %slice3A_345 = vector.extract_strided_slice %add3A_183 {offsets = [5, 0], sizes = [1, 8], strides = [1, 1]} : vector<8x8xf32> to vector<1x8xf32>
      %eq3A_346 = vector.broadcast %slice3A_345 : vector<1x8xf32> to vector<8x8xf32>
      %eq3A_347 = arith.cmpf oeq, %eq3A_346, %convert_element_type3A_59 : vector<8x8xf32>
      %jit3A_348 = arith.constant 1.000000e+00 : f32
      %jit3A_349 = arith.constant 0.000000e+00 : f32
      %broadcast_in_dim3A_350 = vector.broadcast %jit3A_348 : f32 to vector<8x8xf32>
      %broadcast_in_dim3A_351 = vector.broadcast %jit3A_349 : f32 to vector<8x8xf32>
      %select_n3A_352 = arith.select %eq3A_347, %broadcast_in_dim3A_350, %broadcast_in_dim3A_351 : vector<8x8xi1>, vector<8x8xf32>
      %mul3A_353 = arith.mulf %div3A_270, %select_n3A_352 : vector<8x8xf32>
      %swap3A_354 = arith.constant 5 : index
      %swap3A_355 = arith.constant 0 : index
      %swap3A_356 = arith.constant 0 : index
      %swap3A_357 = vector.load %arg10[%swap3A_354, %swap3A_355, %swap3A_356] : memref<8x8x8xf32, #tpu.memory_space<vmem>>, vector<1x8x8xf32>
      %swap3A_358 = vector.shape_cast %swap3A_357 : vector<1x8x8xf32> to vector<8x8xf32>
      %swap3A_359 = vector.shape_cast %mul3A_353 : vector<8x8xf32> to vector<1x8x8xf32>
      tpu.vector_store %arg10[%swap3A_354, %swap3A_355, %swap3A_356], %swap3A_359 {strides = array<i32>} : memref<8x8x8xf32, #tpu.memory_space<vmem>>, vector<1x8x8xf32>,
      %slice3A_360 = vector.extract_strided_slice %add3A_183 {offsets = [6, 0], sizes = [1, 8], strides = [1, 1]} : vector<8x8xf32> to vector<1x8xf32>
      %eq3A_361 = vector.broadcast %slice3A_360 : vector<1x8xf32> to vector<8x8xf32>
      %eq3A_362 = arith.cmpf oeq, %eq3A_361, %convert_element_type3A_59 : vector<8x8xf32>
      %jit3A_363 = arith.constant 1.000000e+00 : f32
      %jit3A_364 = arith.constant 0.000000e+00 : f32
      %broadcast_in_dim3A_365 = vector.broadcast %jit3A_363 : f32 to vector<8x8xf32>
      %broadcast_in_dim3A_366 = vector.broadcast %jit3A_364 : f32 to vector<8x8xf32>
      %select_n3A_367 = arith.select %eq3A_362, %broadcast_in_dim3A_365, %broadcast_in_dim3A_366 : vector<8x8xi1>, vector<8x8xf32>
      %mul3A_368 = arith.mulf %div3A_270, %select_n3A_367 : vector<8x8xf32>
      %swap3A_369 = arith.constant 6 : index
      %swap3A_370 = arith.constant 0 : index
      %swap3A_371 = arith.constant 0 : index
      %swap3A_372 = vector.load %arg10[%swap3A_369, %swap3A_370, %swap3A_371] : memref<8x8x8xf32, #tpu.memory_space<vmem>>, vector<1x8x8xf32>
      %swap3A_373 = vector.shape_cast %swap3A_372 : vector<1x8x8xf32> to vector<8x8xf32>
      %swap3A_374 = vector.shape_cast %mul3A_368 : vector<8x8xf32> to vector<1x8x8xf32>
      tpu.vector_store %arg10[%swap3A_369, %swap3A_370, %swap3A_371], %swap3A_374 {strides = array<i32>} : memref<8x8x8xf32, #tpu.memory_space<vmem>>, vector<1x8x8xf32>,
      %slice3A_375 = vector.extract_strided_slice %add3A_183 {offsets = [7, 0], sizes = [1, 8], strides = [1, 1]} : vector<8x8xf32> to vector<1x8xf32>
      %eq3A_376 = vector.broadcast %slice3A_375 : vector<1x8xf32> to vector<8x8xf32>
      %eq3A_377 = arith.cmpf oeq, %eq3A_376, %convert_element_type3A_59 : vector<8x8xf32>
      %jit3A_378 = arith.constant 1.000000e+00 : f32
      %jit3A_379 = arith.constant 0.000000e+00 : f32
      %broadcast_in_dim3A_380 = vector.broadcast %jit3A_378 : f32 to vector<8x8xf32>
      %broadcast_in_dim3A_381 = vector.broadcast %jit3A_379 : f32 to vector<8x8xf32>
      %select_n3A_382 = arith.select %eq3A_377, %broadcast_in_dim3A_380, %broadcast_in_dim3A_381 : vector<8x8xi1>, vector<8x8xf32>
      %mul3A_383 = arith.mulf %div3A_270, %select_n3A_382 : vector<8x8xf32>
      %swap3A_384 = arith.constant 7 : index
      %swap3A_385 = arith.constant 0 : index
      %swap3A_386 = arith.constant 0 : index
      %swap3A_387 = vector.load %arg10[%swap3A_384, %swap3A_385, %swap3A_386] : memref<8x8x8xf32, #tpu.memory_space<vmem>>, vector<1x8x8xf32>
      %swap3A_388 = vector.shape_cast %swap3A_387 : vector<1x8x8xf32> to vector<8x8xf32>
      %swap3A_389 = vector.shape_cast %mul3A_383 : vector<8x8xf32> to vector<1x8x8xf32>
      tpu.vector_store %arg10[%swap3A_384, %swap3A_385, %swap3A_386], %swap3A_389 {strides = array<i32>} : memref<8x8x8xf32, #tpu.memory_space<vmem>>, vector<1x8x8xf32>,
      %broadcast_in_dim3A_390 = arith.constant 0.000000e+00 : f32
      %broadcast_in_dim3A_391 = vector.broadcast %broadcast_in_dim3A_390 : f32 to vector<8x1024xf32>
      %swap3A_392 = arith.constant 0 : index
      %swap3A_393 = arith.constant 0 : index
      %swap3A_394 = vector.load %arg8[%swap3A_392, %swap3A_393] : memref<8x1024xf32, #tpu.memory_space<vmem>>, vector<8x1024xf32>
      tpu.vector_store %arg8[%swap3A_392, %swap3A_393], %broadcast_in_dim3A_391 {strides = array<i32>} : memref<8x1024xf32, #tpu.memory_space<vmem>>, vector<8x1024xf32>,
    } else {
    }
    %get3A_20 = arith.constant 0 : index
    %get3A_21 = arith.constant 0 : index
    %get3A_22 = arith.constant 0 : index
    %get3A_23 = vector.load %arg6[%get3A_20, %get3A_21, %get3A_22] : memref<1x1024x1024xf32, #tpu.memory_space<vmem>>, vector<1x1024x1024xf32>
    %get3A_24 = vector.shape_cast %get3A_23 : vector<1x1024x1024xf32> to vector<1024x1024xf32>
    %dot_general3A_25 = arith.constant dense<0.000000e+00> : vector<8x1024xf32>
    %dot_general3A_26 = tpu.matmul %get3A_17, %get3A_24, %dot_general3A_25 {dimension_numbers = #tpu.dot_dimension_numbers<[1], [1], [0], [0], [0, 0, 1, 0], [], []>, transpose_lhs_hint = false} : vector<8x1024xf32>, vector<1024x1024xf32>, vector<8x1024xf32> -> vector<8x1024xf32>
    %get3A_27 = arith.constant 0 : index
    %get3A_28 = arith.constant 0 : index
    %get3A_29 = arith.constant 0 : index
    %get3A_30 = vector.load %arg7[%get3A_27, %get3A_28, %get3A_29] : memref<1x1x1024xf32, #tpu.memory_space<vmem>>, vector<1x1x1024xf32>
    %get3A_31 = vector.shape_cast %get3A_30 : vector<1x1x1024xf32> to vector<1x1024xf32>
    %add3A_32 = vector.broadcast %get3A_31 : vector<1x1024xf32> to vector<8x1024xf32>
    %add3A_33 = arith.addf %dot_general3A_26, %add3A_32 : vector<8x1024xf32>
    %get3A_34 = arith.constant 0 : index
    %get3A_35 = arith.constant 0 : index
    %get3A_36 = vector.load %arg8[%get3A_34, %get3A_35] : memref<8x1024xf32, #tpu.memory_space<vmem>>, vector<8x1024xf32>
    %get3A_37 = arith.index_cast %arg0 : i32 to index
    %get3A_38 = arith.constant 0 : index
    %get3A_39 = arith.constant 0 : index
    %get3A_40 = vector.load %arg10[%get3A_37, %get3A_38, %get3A_39] : memref<8x8x8xf32, #tpu.memory_space<vmem>>, vector<1x8x8xf32>
    %get3A_41 = vector.shape_cast %get3A_40 : vector<1x8x8xf32> to vector<8x8xf32>
    %dot_general3A_42 = arith.constant dense<0.000000e+00> : vector<8x1024xf32>
    %dot_general3A_43 = tpu.matmul %get3A_41, %add3A_33, %dot_general3A_42 {dimension_numbers = #tpu.dot_dimension_numbers<[1], [0], [0], [1], [0, 0, 1, 1], [], []>, transpose_lhs_hint = false} : vector<8x8xf32>, vector<8x1024xf32>, vector<8x1024xf32> -> vector<8x1024xf32>
    %add3A_44 = arith.addf %get3A_36, %dot_general3A_43 : vector<8x1024xf32>
    %swap3A_45 = arith.constant 0 : index
    %swap3A_46 = arith.constant 0 : index
    %swap3A_47 = vector.load %arg8[%swap3A_45, %swap3A_46] : memref<8x1024xf32, #tpu.memory_space<vmem>>, vector<8x1024xf32>
    tpu.vector_store %arg8[%swap3A_45, %swap3A_46], %add3A_44 {strides = array<i32>} : memref<8x1024xf32, #tpu.memory_space<vmem>>, vector<8x1024xf32>,
    return
  }
  func.func @transform_0(%arg0: i32) -> (i32, i32) {
    %c0_i32 = arith.constant 0 : i32
    %c0_i32_0 = arith.constant 0 : i32
    return %arg0, %c0_i32 : i32, i32
  }
  func.func @transform_1(%arg0: i32) -> (i32, i32) {
    %c0_i32 = arith.constant 0 : i32
    %c0_i32_0 = arith.constant 0 : i32
    %c0_i32_1 = arith.constant 0 : i32
    return %c0_i32, %c0_i32_0 : i32, i32
  }
  func.func @transform_2(%arg0: i32) -> (i32, i32) {
    %c0_i32 = arith.constant 0 : i32
    %c0_i32_0 = arith.constant 0 : i32
    %c0_i32_1 = arith.constant 0 : i32
    return %c0_i32, %c0_i32_0 : i32, i32
  }
  func.func @transform_3(%arg0: i32) -> (i32, i32) {
    %c0_i32 = arith.constant 0 : i32
    %c0_i32_0 = arith.constant 0 : i32
    %c0_i32_1 = arith.constant 0 : i32
    return %c0_i32, %c0_i32_0 : i32, i32
  }
  func.func @transform_4(%arg0: i32) -> (i32, i32) {
    %c0_i32 = arith.constant 0 : i32
    %c0_i32_0 = arith.constant 0 : i32
    %c0_i32_1 = arith.constant 0 : i32
    return %c0_i32, %c0_i32_0 : i32, i32
  }
  func.func @transform_5(%arg0: i32) -> (i32, i32, i32) {
    %c0_i32 = arith.constant 0 : i32
    %c0_i32_0 = arith.constant 0 : i32
    %c0_i32_1 = arith.constant 0 : i32
    return %arg0, %c0_i32, %c0_i32_0 : i32, i32, i32
  }
  func.func @transform_6(%arg0: i32) -> (i32, i32, i32) {
    %c0_i32 = arith.constant 0 : i32
    %c0_i32_0 = arith.constant 0 : i32
    %c0_i32_1 = arith.constant 0 : i32
    return %arg0, %c0_i32, %c0_i32_0 : i32, i32, i32
  }
  func.func @transform_7(%arg0: i32) -> (i32, i32) {
    %c0_i32 = arith.constant 0 : i32
    %c0_i32_0 = arith.constant 0 : i32
    %c0_i32_1 = arith.constant 0 : i32
    return %c0_i32, %c0_i32_0 : i32, i32
  }
  func.func @transform_8(%arg0: i32) -> (i32, i32) {
    %c0_i32 = arith.constant 0 : i32
    %c0_i32_0 = arith.constant 0 : i32
    return %c0_i32, %arg0 : i32, i32
  }
}

module attributes {stable_mosaic.version = 14 : i64} {
  func.func @_patch_kernel(%arg0: i32, %arg1: memref<8x1024xf32, #tpu.memory_space<vmem>>, %arg2: memref<8x1024xf32, #tpu.memory_space<vmem>>, %arg3: memref<8x1024xf32, #tpu.memory_space<vmem>>) attributes {dimension_semantics = [#tpu.dimension_semantics<arbitrary>], iteration_bounds = array<i64: 1>, scalar_prefetch = 0 : i64, scratch_operands = 0 : i64, tpu.core_type = #tpu.core_type<tc>, window_params = [{transform_indices = @transform_0, window_bounds = array<i64: 8, 1024>}, {pipeline_mode = #tpu.pipeline_mode<synchronous>, transform_indices = @transform_1, window_bounds = array<i64: 8, 1024>}, {transform_indices = @transform_2, window_bounds = array<i64: 8, 1024>}]} {
    %get3A = arith.constant 0 : index
    %get3A_0 = arith.constant 0 : index
    %get3A_1 = vector.load %arg2[%get3A, %get3A_0] : memref<8x1024xf32, #tpu.memory_space<vmem>>, vector<8x1024xf32>
    %swap3A = arith.constant 0 : index
    %swap3A_2 = arith.constant 0 : index
    %swap3A_3 = vector.load %arg3[%swap3A, %swap3A_2] : memref<8x1024xf32, #tpu.memory_space<vmem>>, vector<8x1024xf32>
    tpu.vector_store %arg3[%swap3A, %swap3A_2], %get3A_1 {strides = array<i32>} : memref<8x1024xf32, #tpu.memory_space<vmem>>, vector<8x1024xf32>,
    return
  }
  func.func @transform_0(%arg0: i32) -> (i32, i32) {
    %c0_i32 = arith.constant 0 : i32
    %c0_i32_0 = arith.constant 0 : i32
    %c0_i32_1 = arith.constant 0 : i32
    return %c0_i32, %c0_i32_0 : i32, i32
  }
  func.func @transform_1(%arg0: i32) -> (i32, i32) {
    %c0_i32 = arith.constant 0 : i32
    %c0_i32_0 = arith.constant 0 : i32
    %c0_i32_1 = arith.constant 0 : i32
    return %c0_i32, %c0_i32_0 : i32, i32
  }
  func.func @transform_2(%arg0: i32) -> (i32, i32) {
    %c0_i32 = arith.constant 0 : i32
    %c0_i32_0 = arith.constant 0 : i32
    %c0_i32_1 = arith.constant 0 : i32
    return %c0_i32, %c0_i32_0 : i32, i32
  }
}

</mosaic_0001>

<sc_bundles>
// kernel: kernel.5.cloned.1.call-start
scs
__scs_entry_jumppad:
0x0: {  	(pc) =	sbr.rel $0x88, $3  }
0x1: {  	(tag) =	ssettag $0x0;
	lr =	simm.s32 $0x1  }
0x2: {  	[smem:$0x3F9C] =	sst lr;
	_ =	strace $0xD0000000  }
0x3: {  	_ = 	snop  }
0x4: {  	_ = 	snop  }
0x5: {  	_ = 	snop  }
0x6: {  	_ = 	snop  }
0x7: {  	_ = 	snop  }
__scs_overlays_trampoline_lowered:
0x8: {  	[smem:$0x3FAB] =	sst s0  }
0x9: {  	[smem:$0x3FAC] =	sst s1  }
0xa: {  	[smem:$0x3FAD] =	sst s2  }
0xb: {  	[smem:$0x3FAE] =	sst s3  }
0xc: {  	[smem:$0x3FAF] =	sst s4  }
0xd: {  	[smem:$0x3FB0] =	sst s5  }
0xe: {  	[smem:$0x3FB1] =	sst s6  }
0xf: {  	[smem:$0x3FB2] =	sst s7  }
0x10: {  	[smem:$0x3FB3] =	sst s8  }
0x11: {  	[smem:$0x3FB4] =	sst s9;
	s0 =	simm.s32 @!p0 $0x0  }
0x12: {  	s1 =	sld [smem:$0x3F9A];
	s0 =	simm.s32 @p0 $0x1  }
0x13: {  	[smem:$0x3FB5] =	sst s0;
	s0 =	simm.s32 @!p1 $0x0  }
0x14: {  	s2 =	sld [smem:$0x3F99];
	s0 =	simm.s32 @p1 $0x1  }
0x15: {  	[smem:$0x3FB6] =	sst s0;
	s0 =	simm.s32 @!p2 $0x0  }
0x16: {  	s3 =	sld [smem:$0x3FDB];
	s0 =	simm.s32 @p2 $0x1  }
0x17: {  	s4 =	simm.s32 $0x1BF5;
	[smem:$0x3FB8] =	sst s0  }
0x18: {  	s0 =	sld [smem:$0x3F9B];
	_ =	swait.ge [sflag:s4], $0x0  }
0x19: {  	s7 =	sld [smem:$0x3F9C]  }
0x1a: {  	s8 =	sadd.s32 $0xFFFFE003, lr  }
0x1b: {  	s9 =	sadd.s32 $0xFFFFFEF7, lr;
	s5 =	simm.s32 $0xFFFFFFFF;
	p2 =	slt.u32 s8, $0xFFFFF086  }
0x1c: {  	p1 =	slt.u32 s9, $0xF7A;
	s5 =	simm.s32 @!p2 $0x0  }
0x1d: {  	s5 =	simm.s32 @p1 $0x1;
	p0 =	seq.s32 s7, s2  }
0x1e: {  	s7 =	smul.u32 @!p0 $0xF7A, s2;
	p2 =	seq.s32 @!p0 s5, $0x0  }
0x1f: {  	s9 =	smul.u32 $0xF7A, s1;
	s8 =	simm.s32 @!p0 $0x1BF5;
	p2 =	por !p2, p0  }
0x20: {  	[sflag:s8] =	ssyncset.s32 @!p0 $0xFFFFF086;
	s6 =	sadd.s32 @!p0 s3, s7;
	s7 =	simm.s32 @!p0 $0x108  }
0x21: {  	s3 =	sadd.s32 s3, s9;
	s6 =	sadd.s32 @!p0 $0x88, s6;
	s7 =	simm.s32 @p2 $0x1082  }
0x22: {  	[simem:s7], [sflag:s8] =	dma.local @!p0 [hbm:s6], $0xF7A  }
0x23: {  	s9 =	sor.u32 $0xD0000000, s2;
	s6 =	simm.s32 $0x108;
	_ =	swait.ge @!p0 [sflag:s8], $0x0  }
0x24: {  	s3 =	sadd.s32 $0x88, s3;
	s6 =	simm.s32 @!p1 $0x1082;
	[sflag:s4] =	ssyncset.s32 $0xFFFFF086  }
0x25: {  	[simem:s6], [sflag:s4] =	dma.local [hbm:s3], $0xF7A  }
0x26: {  	[smem:$0x3F9C] =	sst s1;
	(tag) =	ssettag s2;
	_ =	strace s9  }
0x27: {  	s1 =	sld [smem:$0x3FAC]  }
0x28: {  	s2 =	sld [smem:$0x3FAD]  }
0x29: {  	s4 =	sld [smem:$0x3FAF]  }
0x2a: {  	p0 =	seq.s32 s5, $0x0;
	s5 =	sld [smem:$0x3FB0]  }
0x2b: {  	s6 =	sld [smem:$0x3FB1]  }
0x2c: {  	s7 =	sld [smem:$0x3FB2]  }
0x2d: {  	s3 =	simm.s32 $0x108;
	s8 =	sld [smem:$0x3FB3]  }
0x2e: {  	s3 =	simm.s32 @!p0 $0x1082;
	s9 =	sld [smem:$0x3FB4]  }
0x2f: {  	lr =	sadd.s32 s0, s3;
	s0 =	sld [smem:$0x3FAB]  }
0x30: {  	s3 =	sld [smem:$0x3FAE]  }
0x31: {  	[smem:$0x3FB7] =	sst s10  }
0x32: {  	s10 =	sld [smem:$0x3FB5];
	_ =	sdelay $0x3  }
0x33: {  	p0 =	seq.s32 s10, $0x1;
	s10 =	sld [smem:$0x3FB7];
	_ =	sdelay $0x3  }
0x34: {  	[smem:$0x3FB7] =	sst s10  }
0x35: {  	s10 =	sld [smem:$0x3FB6];
	_ =	sdelay $0x3  }
0x36: {  	p1 =	seq.s32 s10, $0x1;
	s10 =	sld [smem:$0x3FB7];
	_ =	sdelay $0x3  }
0x37: {  	[smem:$0x3FB7] =	sst s10  }
0x38: {  	s10 =	sld [smem:$0x3FB8]  }
0x39: {  	_ = 	snop;
	(pc) =	sbr.ind lr, $3  }
0x3a: {  	_ = 	snop  }
0x3b: {  	_ = 	snop  }
0x3c: {  	p2 =	seq.s32 s10, $0x1;
	s10 =	sld [smem:$0x3FB7]  }
0x3d: {  	_ =	shalt  }
0x3e: {  	_ =	shalt  }
0x3f: {  	_ =	shalt  }
0x40: {  	_ =	shalt  }
0x41: {  	_ =	shalt  }
0x42: {  	_ =	shalt  }
0x43: {  	_ =	shalt  }
0x44: {  	_ =	shalt  }
0x45: {  	_ =	shalt  }
0x46: {  	_ =	shalt  }
0x47: {  	_ =	shalt  }
0x48: {  	_ =	shalt  }
0x49: {  	_ =	shalt  }
0x4a: {  	_ =	shalt  }
0x4b: {  	_ =	shalt  }
0x4c: {  	_ =	shalt  }
0x4d: {  	_ =	shalt  }
0x4e: {  	_ =	shalt  }
0x4f: {  	_ =	shalt  }
0x50: {  	_ =	shalt  }
0x51: {  	_ =	shalt  }
0x52: {  	_ =	shalt  }
0x53: {  	_ =	shalt  }
0x54: {  	_ =	shalt  }
0x55: {  	_ =	shalt  }
0x56: {  	_ =	shalt  }
0x57: {  	_ =	shalt  }
0x58: {  	_ =	shalt  }
0x59: {  	_ =	shalt  }
0x5a: {  	_ =	shalt  }
0x5b: {  	_ =	shalt  }
0x5c: {  	_ =	shalt  }
0x5d: {  	_ =	shalt  }
0x5e: {  	_ =	shalt  }
0x5f: {  	_ =	shalt  }
0x60: {  	_ =	shalt  }
0x61: {  	_ =	shalt  }
0x62: {  	_ =	shalt  }
0x63: {  	_ =	shalt  }
0x64: {  	_ =	shalt  }
0x65: {  	_ =	shalt  }
0x66: {  	_ =	shalt  }
0x67: {  	_ =	shalt  }
0x68: {  	_ =	shalt  }
0x69: {  	_ =	shalt  }
0x6a: {  	_ =	shalt  }
0x6b: {  	_ =	shalt  }
0x6c: {  	_ =	shalt  }
0x6d: {  	_ =	shalt  }
0x6e: {  	_ =	shalt  }
0x6f: {  	_ =	shalt  }
0x70: {  	_ =	shalt  }
0x71: {  	_ =	shalt  }
0x72: {  	_ =	shalt  }
0x73: {  	_ =	shalt  }
0x74: {  	_ =	shalt  }
0x75: {  	_ =	shalt  }
0x76: {  	_ =	shalt  }
0x77: {  	_ =	shalt  }
0x78: {  	_ =	shalt  }
0x79: {  	_ =	shalt  }
0x7a: {  	_ =	shalt  }
0x7b: {  	_ =	shalt  }
0x7c: {  	_ =	shalt  }
0x7d: {  	_ =	shalt  }
0x7e: {  	_ =	shalt  }
0x7f: {  	_ =	shalt  }
0x80: {  	_ =	shalt  }
0x81: {  	_ =	shalt  }
0x82: {  	_ =	shalt  }
0x83: {  	_ =	shalt  }
0x84: {  	_ =	shalt  }
0x85: {  	_ =	shalt  }
0x86: {  	_ =	shalt  }
0x87: {  	_ =	shalt  }
.Lfunc_end0:
.L_simem_size_0:
called_computation_lowered:
.L_overlay_start_0:
0x88: {  	s2 =	sld [smem:$0x3FD9]  }
0x89: {  	s3 =	sld [smem:$0x3FFE];
	_ =	sdelay $0x1  }
0x8a: {  	s1 =	srdreg.scid  }
0x8b: {  	s0 =	sand.u32 $0x1, s1  }
0x8c: {  	s15 =	sshll.u32 s0, $0xA;
	s2 =	sadd.s32 s3, s2  }
0x8d: {  	s2 =	sadd.s32 s2, s15  }
0x8e: {  	[smem:$0x3FC3] =	sst s2  }
0x8f: {  	_ = 	snop  }
0x90: {  	s2 =	sld [smem:$0x3FD0];
	_ =	sdelay $0x2  }
0x91: {  	s16 =	simm.s32 $0xA;
	s4 =	simm.s32 $0x10  }
0x92: {  	[smem:s4], [sflag:s16] =	dma.local [hbm:s2], $0x1  }
0x93: {  	_ =	swait.eq [sflag:s16], $0x1  }
0x94: {  	[sflag:s16] =	ssyncset.done $0x0  }
0x95: {  	[sflag:s16] =	ssyncadd.s32 $0xFFFFFFFF  }
0x96: {  	s17 =	sld [smem:$0x10];
	(tm) =	ssettm $0x1  }
0x97: {  	s18 =	sld [smem:$0x3FFB];
	_ =	sdelay $0x3  }
0x98: {  	_ =	strace s18  }
0x99: {  	s3 =	sld [smem:$0x3FFC];
	_ =	sdelay $0x3  }
0x9a: {  	_ =	strace s3  }
0x9b: {  	s3 =	sld [smem:$0x3FFD];
	_ =	sdelay $0x3  }
0x9c: {  	_ =	strace s3  }
0x9d: {  	_ =	strace $0x8FFFFFFF  }
0x9e: {  	s19 =	sld [smem:$0x3FDB];
	_ =	sdelay $0x1  }
0x9f: {  	s20 =	simm.s32 $_scs_section_size  }
0xa0: {  	s5 =	simm.s32 $_size__tile_overlayer_lowered;
	s6 =	simm.s32 $_tile_overlayer_lowered  }
0xa1: {  	s23 =	simm.s32 $0x1BFF;
	s22 =	sshll.u32 s6, $0x1;
	s3 =	sadd.s32 s20, s19  }
0xa2: {  	s7 =	simm.s32 $0x0;
	s21 =	sshll.u32 s5, $0x1;
	s5 =	sadd.s32 s22, s3  }
0xa3: {  	[timem:s7], [sflag:s23] =	dma.local [hbm:s5], s21  }
0xa4: {  	_ =	swait.ge [sflag:s23], s21  }
0xa5: {  	s4 =	ssub.s32 $0x0, s21;
	[sflag:s23] =	ssyncset.done $0x0  }
0xa6: {  	[sflag:s23] =	ssyncadd.s32 s4;
	_ =	sdelay $0x1  }
0xa7: {  	s24 =	simm.s32 $0x1B8B  }
0xa8: {  	_ =	swait.ge [sflag:s24], $0x1  }
0xa9: {  	[sflag:s24] =	ssyncset.done $0x0  }
0xaa: {  	s25 =	simm.s32 $0x1B8E;
	[sflag:s24] =	ssyncadd.s32 $0xFFFFFFFF  }
0xab: {  	s26 =	simm.s32 $execute0_lowered;
	[smem:$0x3FD2] =	sst s25  }
0xac: {  	s4 =	sshll.u32 s26, $0x1;
	_ =	strace $0x80000046;
	[dreg:$0x1] =	wrdreg $0xFFFFFFFF  }
0xad: {  	s28 =	simm.s32 $_size_execute0_lowered;
	s3 =	sadd.s32 s3, s4;
	[dreg:$0x0] =	wrdreg $0x0  }
0xae: {  	s4 =	sshll.u32 s28, $0x1;
	[dreg:$0x2] =	wrdreg s3  }
0xaf: {  	[dreg:$0x3] =	wrdreg s4  }
0xb0: {  	[dreg:$0x4] =	wrdreg $0xC0  }
0xb1: {  	_ =	task [dreg:s7], $0x5FFFF  }
0xb2: {  	[dreg:$0x1] =	wrdreg $0xFFFFFFFF  }
0xb3: {  	[dreg:$0x0] =	wrdreg $0x60  }
0xb4: {  	[dreg:$0x2] =	wrdreg s17  }
0xb5: {  	[dreg:$0x3] =	wrdreg $0x9  }
0xb6: {  	_ =	task.clear_ibuf [dreg:s7], $0x4FFFF;
	_ =	strace $0x90000046  }
0xb7: {  	s29 =	simm.s32 $0x9;
	_ =	strace $0x80000048  }
0xb8: {  	_ =	swait.ge [sflag:s29], $0x1  }
0xb9: {  	[sflag:s29] =	ssyncadd.s32 $0xFFFFFFFF  }
0xba: {  	_ =	strace $0x90000048  }
0xbb: {  	_ =	sfence  }
0xbc: {  	s30 =	sld [smem:$0x0];
	_ =	sdelay $0x2  }
0xbd: {  	s31 =	sshll.u32 s1, $0xD;
	s1 =	sshrl.u32 s1, $0x2  }
0xbe: {  	s3 =	sand.u32 $0x4000, s31;
	s1 =	sadd.s32 s1, s30  }
0xbf: {  	s0 =	sor.u32 s3, s0;
	s1 =	sshll.u32 s1, $0x11  }
0xc0: {  	s0 =	sor.u32 s1, s0  }
0xc1: {  	s0 =	sadd.s32 $0x8F2B, s0  }
0xc2: {  	[sflag:s0] =	ssyncadd.remote.s32 $0x1  }
0xc3: {  	_ =	sfence.sel $0xFFFF  }
0xc4: {  	[dreg:$0x0] =	wrdreg $0xFFFFFFFF;
	(pc) =	sbr.abs _section_cstart, $3  }
0xc5: {  	[dreg:$0x1] =	wrdreg $0xFFFFFFFF  }
0xc6: {  	_ =	task.clear_ibuf [dreg:s7], $0x2FFFF;
	_ =	strace $0x9FFFFFFF  }
0xc7: {  	(tm) =	ssettm $0x7FFFFFFF  }
tec
execute0_lowered:
.L_overlay_start_1:
0x0: {  	(tag) =	ssettag $0x1  }
0x1: {  	s0 =	srdreg.scid  }
0x2: {  	s3 =	rddreg [dreg:$0x0];
	s1 =	stileid.u32;
	s2 =	simm.s32 $0x0  }
0x3: {  	s12 =	simm.s32 $0x1;
	s13 =	simm.s32 $0x0;
	s4 =	sand.u32 $0x1, s0  }
0x4: {  	s0 =	rddreg [dreg:$0x1];
	s5 =	sshll.u32 s1, $0x10;
	s6 =	sshll.u32 s4, $0xF  }
0x5: {  	[smem:$0x7FF] =	sst s2;
	s4 =	ssub.s32 $0x2, s4;
	s5 =	sor.u32 s6, s5  }
0x6: {  	_ =	strace $0x80000047;
	s31 =	sshrl.u32 s4, $0x1;
	s3 =	sadd.s32 s3, s5  }
0x7: {  	s11 =	ssub.s32 s4, s31;
	s4 =	sadd.s32 $0x1000, s3;
	s5 =	sadd.s32 $0x2000, s3  }
0x8: {  	s6 =	sadd.s32 $0x3000, s3;
	s7 =	sadd.s32 $0x4000, s3;
	s8 =	sadd.s32 $0x5000, s3  }
0x9: {  	v0 =	vimm.f32 $0.0e+00;
	s9 =	sadd.s32 $0x6000, s3;
	s10 =	sadd.s32 $0x7000, s3;
	s11 =	smax.u32 s11, $0x1  }
.LBB2_1:
0xa: {  	s14 =	sand.u32 $0x6000, s2;
	s15 =	sand.u32 $0x380, s2  }
0xb: {  	s14 =	sor.u32 s15, s14  }
0xc: {  	[tilespmem:s14+$0x1C70] =	vst v0  }
0xd: {  	[tilespmem:s14+$0x0] =	vst v0  }
0xe: {  	[tilespmem:s14+$0x10] =	vst v0  }
0xf: {  	[tilespmem:s14+$0x20] =	vst v0  }
0x10: {  	[tilespmem:s14+$0x30] =	vst v0  }
0x11: {  	[tilespmem:s14+$0x40] =	vst v0  }
0x12: {  	[tilespmem:s14+$0x50] =	vst v0  }
0x13: {  	[tilespmem:s14+$0x60] =	vst v0  }
0x14: {  	[tilespmem:s14+$0x70] =	vst v0  }
0x15: {  	[tilespmem:s14+$0x400] =	vst v0  }
0x16: {  	[tilespmem:s14+$0x410] =	vst v0  }
0x17: {  	[tilespmem:s14+$0x420] =	vst v0  }
0x18: {  	[tilespmem:s14+$0x430] =	vst v0  }
0x19: {  	[tilespmem:s14+$0x440] =	vst v0  }
0x1a: {  	[tilespmem:s14+$0x450] =	vst v0  }
0x1b: {  	[tilespmem:s14+$0x460] =	vst v0  }
0x1c: {  	[tilespmem:s14+$0x470] =	vst v0  }
0x1d: {  	[tilespmem:s14+$0x800] =	vst v0  }
0x1e: {  	[tilespmem:s14+$0x810] =	vst v0  }
0x1f: {  	[tilespmem:s14+$0x820] =	vst v0  }
0x20: {  	[tilespmem:s14+$0x830] =	vst v0  }
0x21: {  	[tilespmem:s14+$0x840] =	vst v0  }
0x22: {  	[tilespmem:s14+$0x850] =	vst v0  }
0x23: {  	[tilespmem:s14+$0x860] =	vst v0  }
0x24: {  	[tilespmem:s14+$0x870] =	vst v0  }
0x25: {  	[tilespmem:s14+$0xC00] =	vst v0  }
0x26: {  	[tilespmem:s14+$0xC10] =	vst v0  }
0x27: {  	[tilespmem:s14+$0xC20] =	vst v0  }
0x28: {  	[tilespmem:s14+$0xC30] =	vst v0  }
0x29: {  	[tilespmem:s14+$0xC40] =	vst v0  }
0x2a: {  	[tilespmem:s14+$0xC50] =	vst v0  }
0x2b: {  	[tilespmem:s14+$0xC60] =	vst v0  }
0x2c: {  	[tilespmem:s14+$0xC70] =	vst v0  }
0x2d: {  	[tilespmem:s14+$0x1000] =	vst v0  }
0x2e: {  	[tilespmem:s14+$0x1010] =	vst v0  }
0x2f: {  	[tilespmem:s14+$0x1020] =	vst v0  }
0x30: {  	[tilespmem:s14+$0x1030] =	vst v0  }
0x31: {  	[tilespmem:s14+$0x1040] =	vst v0  }
0x32: {  	[tilespmem:s14+$0x1050] =	vst v0  }
0x33: {  	[tilespmem:s14+$0x1060] =	vst v0  }
0x34: {  	[tilespmem:s14+$0x1070] =	vst v0  }
0x35: {  	[tilespmem:s14+$0x1400] =	vst v0  }
0x36: {  	[tilespmem:s14+$0x1410] =	vst v0  }
0x37: {  	[tilespmem:s14+$0x1420] =	vst v0  }
0x38: {  	[tilespmem:s14+$0x1430] =	vst v0  }
0x39: {  	[tilespmem:s14+$0x1440] =	vst v0  }
0x3a: {  	[tilespmem:s14+$0x1450] =	vst v0  }
0x3b: {  	[tilespmem:s14+$0x1460] =	vst v0  }
0x3c: {  	[tilespmem:s14+$0x1470] =	vst v0  }
0x3d: {  	[tilespmem:s14+$0x1800] =	vst v0  }
0x3e: {  	[tilespmem:s14+$0x1810] =	vst v0  }
0x3f: {  	[tilespmem:s14+$0x1820] =	vst v0  }
0x40: {  	[tilespmem:s14+$0x1830] =	vst v0  }
0x41: {  	[tilespmem:s14+$0x1840] =	vst v0  }
0x42: {  	[tilespmem:s14+$0x1850] =	vst v0  }
0x43: {  	[tilespmem:s14+$0x1860] =	vst v0  }
0x44: {  	[tilespmem:s14+$0x1870] =	vst v0  }
0x45: {  	[tilespmem:s14+$0x1C00] =	vst v0  }
0x46: {  	[tilespmem:s14+$0x1C10] =	vst v0  }
0x47: {  	[tilespmem:s14+$0x1C20] =	vst v0  }
0x48: {  	[tilespmem:s14+$0x1C30] =	vst v0  }
0x49: {  	s16 =	simm.s32 $0x400;
	s15 =	simm.s32 $0x80;
	[tilespmem:s14+$0x1C40] =	vst v0  }
0x4a: {  	s17 =	sand.u32 $0x6000, s16;
	s16 =	simm.s32 $0x800;
	s18 =	sand.u32 $0x380, s15;
	[tilespmem:s14+$0x1C50] =	vst v0  }
.LBB2_2:
0x4b: {  	p0 =	sne.s32 s16, $0x7C00;
	[tilespmem:s14+$0x1C60] =	vst v0;
	s14 =	sor.u32 s18, s17  }
0x4c: {  	[tilespmem:s14+$0x1C70] =	vst v0  }
0x4d: {  	[tilespmem:s14+$0x0] =	vst v0  }
0x4e: {  	[tilespmem:s14+$0x10] =	vst v0  }
0x4f: {  	[tilespmem:s14+$0x20] =	vst v0  }
0x50: {  	[tilespmem:s14+$0x30] =	vst v0  }
0x51: {  	[tilespmem:s14+$0x40] =	vst v0  }
0x52: {  	[tilespmem:s14+$0x50] =	vst v0  }
0x53: {  	[tilespmem:s14+$0x60] =	vst v0  }
0x54: {  	[tilespmem:s14+$0x70] =	vst v0  }
0x55: {  	[tilespmem:s14+$0x400] =	vst v0  }
0x56: {  	[tilespmem:s14+$0x410] =	vst v0  }
0x57: {  	[tilespmem:s14+$0x420] =	vst v0  }
0x58: {  	[tilespmem:s14+$0x430] =	vst v0  }
0x59: {  	[tilespmem:s14+$0x440] =	vst v0  }
0x5a: {  	[tilespmem:s14+$0x450] =	vst v0  }
0x5b: {  	[tilespmem:s14+$0x460] =	vst v0  }
0x5c: {  	[tilespmem:s14+$0x470] =	vst v0  }
0x5d: {  	[tilespmem:s14+$0x800] =	vst v0  }
0x5e: {  	[tilespmem:s14+$0x810] =	vst v0  }
0x5f: {  	[tilespmem:s14+$0x820] =	vst v0  }
0x60: {  	[tilespmem:s14+$0x830] =	vst v0  }
0x61: {  	[tilespmem:s14+$0x840] =	vst v0  }
0x62: {  	[tilespmem:s14+$0x850] =	vst v0  }
0x63: {  	[tilespmem:s14+$0x860] =	vst v0  }
0x64: {  	[tilespmem:s14+$0x870] =	vst v0  }
0x65: {  	[tilespmem:s14+$0xC00] =	vst v0  }
0x66: {  	[tilespmem:s14+$0xC10] =	vst v0  }
0x67: {  	[tilespmem:s14+$0xC20] =	vst v0  }
0x68: {  	[tilespmem:s14+$0xC30] =	vst v0  }
0x69: {  	[tilespmem:s14+$0xC40] =	vst v0  }
0x6a: {  	[tilespmem:s14+$0xC50] =	vst v0  }
0x6b: {  	[tilespmem:s14+$0xC60] =	vst v0  }
0x6c: {  	[tilespmem:s14+$0xC70] =	vst v0  }
0x6d: {  	[tilespmem:s14+$0x1000] =	vst v0  }
0x6e: {  	[tilespmem:s14+$0x1010] =	vst v0  }
0x6f: {  	[tilespmem:s14+$0x1020] =	vst v0  }
0x70: {  	[tilespmem:s14+$0x1030] =	vst v0  }
0x71: {  	[tilespmem:s14+$0x1040] =	vst v0  }
0x72: {  	[tilespmem:s14+$0x1050] =	vst v0  }
0x73: {  	[tilespmem:s14+$0x1060] =	vst v0  }
0x74: {  	[tilespmem:s14+$0x1070] =	vst v0  }
0x75: {  	[tilespmem:s14+$0x1400] =	vst v0  }
0x76: {  	[tilespmem:s14+$0x1410] =	vst v0  }
0x77: {  	[tilespmem:s14+$0x1420] =	vst v0  }
0x78: {  	[tilespmem:s14+$0x1430] =	vst v0  }
0x79: {  	[tilespmem:s14+$0x1440] =	vst v0  }
0x7a: {  	[tilespmem:s14+$0x1450] =	vst v0  }
0x7b: {  	[tilespmem:s14+$0x1460] =	vst v0  }
0x7c: {  	[tilespmem:s14+$0x1470] =	vst v0  }
0x7d: {  	[tilespmem:s14+$0x1800] =	vst v0  }
0x7e: {  	[tilespmem:s14+$0x1810] =	vst v0  }
0x7f: {  	[tilespmem:s14+$0x1820] =	vst v0  }
0x80: {  	[tilespmem:s14+$0x1830] =	vst v0  }
0x81: {  	[tilespmem:s14+$0x1840] =	vst v0  }
0x82: {  	[tilespmem:s14+$0x1850] =	vst v0  }
0x83: {  	[tilespmem:s14+$0x1860] =	vst v0  }
0x84: {  	[tilespmem:s14+$0x1870] =	vst v0  }
0x85: {  	[tilespmem:s14+$0x1C00] =	vst v0  }
.Ltmp0:
0x86: {  	[tilespmem:s14+$0x1C10] =	vst v0;
	(pc) =	sbr.rel @p0 .LBB2_2-.Ltmp0, $4  }
0x87: {  	[tilespmem:s14+$0x1C20] =	vst v0  }
0x88: {  	[tilespmem:s14+$0x1C30] =	vst v0  }
0x89: {  	s15 =	sadd.s32 $0x80, s15;
	[tilespmem:s14+$0x1C40] =	vst v0  }
0x8a: {  	s17 =	sand.u32 $0x6000, s16;
	s16 =	sadd.s32 $0x400, s16;
	s18 =	sand.u32 $0x380, s15;
	[tilespmem:s14+$0x1C50] =	vst v0  }
0x8b: {  	s15 =	sor.u32 s18, s17;
	[tilespmem:s14+$0x1C60] =	vst v0  }
0x8c: {  	[tilespmem:s15+$0x1C70] =	vst v0  }
0x8d: {  	[tilespmem:s15+$0x0] =	vst v0  }
0x8e: {  	[tilespmem:s15+$0x10] =	vst v0  }
0x8f: {  	[tilespmem:s15+$0x20] =	vst v0  }
0x90: {  	[tilespmem:s15+$0x30] =	vst v0  }
0x91: {  	[tilespmem:s15+$0x40] =	vst v0  }
0x92: {  	[tilespmem:s15+$0x50] =	vst v0  }
0x93: {  	[tilespmem:s15+$0x60] =	vst v0  }
0x94: {  	[tilespmem:s15+$0x70] =	vst v0  }
0x95: {  	[tilespmem:s15+$0x400] =	vst v0  }
0x96: {  	[tilespmem:s15+$0x410] =	vst v0  }
0x97: {  	[tilespmem:s15+$0x420] =	vst v0  }
0x98: {  	[tilespmem:s15+$0x430] =	vst v0  }
0x99: {  	[tilespmem:s15+$0x440] =	vst v0  }
0x9a: {  	[tilespmem:s15+$0x450] =	vst v0  }
0x9b: {  	[tilespmem:s15+$0x460] =	vst v0  }
0x9c: {  	[tilespmem:s15+$0x470] =	vst v0  }
0x9d: {  	[tilespmem:s15+$0x800] =	vst v0  }
0x9e: {  	[tilespmem:s15+$0x810] =	vst v0  }
0x9f: {  	[tilespmem:s15+$0x820] =	vst v0  }
0xa0: {  	[tilespmem:s15+$0x830] =	vst v0  }
0xa1: {  	[tilespmem:s15+$0x840] =	vst v0  }
0xa2: {  	[tilespmem:s15+$0x850] =	vst v0  }
0xa3: {  	[tilespmem:s15+$0x860] =	vst v0  }
0xa4: {  	[tilespmem:s15+$0x870] =	vst v0  }
0xa5: {  	[tilespmem:s15+$0xC00] =	vst v0  }
0xa6: {  	[tilespmem:s15+$0xC10] =	vst v0  }
0xa7: {  	[tilespmem:s15+$0xC20] =	vst v0  }
0xa8: {  	[tilespmem:s15+$0xC30] =	vst v0  }
0xa9: {  	[tilespmem:s15+$0xC40] =	vst v0  }
0xaa: {  	[tilespmem:s15+$0xC50] =	vst v0  }
0xab: {  	[tilespmem:s15+$0xC60] =	vst v0  }
0xac: {  	[tilespmem:s15+$0xC70] =	vst v0  }
0xad: {  	[tilespmem:s15+$0x1000] =	vst v0  }
0xae: {  	[tilespmem:s15+$0x1010] =	vst v0  }
0xaf: {  	[tilespmem:s15+$0x1020] =	vst v0  }
0xb0: {  	[tilespmem:s15+$0x1030] =	vst v0  }
0xb1: {  	[tilespmem:s15+$0x1040] =	vst v0  }
0xb2: {  	[tilespmem:s15+$0x1050] =	vst v0  }
0xb3: {  	[tilespmem:s15+$0x1060] =	vst v0  }
0xb4: {  	[tilespmem:s15+$0x1070] =	vst v0  }
0xb5: {  	[tilespmem:s15+$0x1400] =	vst v0  }
0xb6: {  	[tilespmem:s15+$0x1410] =	vst v0  }
0xb7: {  	[tilespmem:s15+$0x1420] =	vst v0  }
0xb8: {  	[tilespmem:s15+$0x1430] =	vst v0  }
0xb9: {  	[tilespmem:s15+$0x1440] =	vst v0  }
0xba: {  	[tilespmem:s15+$0x1450] =	vst v0  }
0xbb: {  	[tilespmem:s15+$0x1460] =	vst v0  }
0xbc: {  	[tilespmem:s15+$0x1470] =	vst v0  }
0xbd: {  	[tilespmem:s15+$0x1800] =	vst v0  }
0xbe: {  	[tilespmem:s15+$0x1810] =	vst v0  }
0xbf: {  	[tilespmem:s15+$0x1820] =	vst v0  }
0xc0: {  	[tilespmem:s15+$0x1830] =	vst v0  }
0xc1: {  	[tilespmem:s15+$0x1840] =	vst v0  }
0xc2: {  	[tilespmem:s15+$0x1850] =	vst v0  }
0xc3: {  	[tilespmem:s15+$0x1860] =	vst v0  }
0xc4: {  	[tilespmem:s15+$0x1870] =	vst v0  }
0xc5: {  	[tilespmem:s15+$0x1C00] =	vst v0  }
0xc6: {  	[tilespmem:s15+$0x1C10] =	vst v0  }
0xc7: {  	[tilespmem:s15+$0x1C20] =	vst v0  }
0xc8: {  	[tilespmem:s15+$0x1C30] =	vst v0  }
0xc9: {  	[tilespmem:s15+$0x1C40] =	vst v0  }
0xca: {  	[tilespmem:s15+$0x1C50] =	vst v0  }
0xcb: {  	[tilespmem:s15+$0x1C60] =	vst v0  }
0xcc: {  	[hbm4b:s3+s2] =	stream.linear.scatter [tilespmem:s2], [sflag:$0x1], $0x8000, $0x38;
	[tilespmem:$0x8000] =	vst v63  }
0xcd: {  	_ = 	snop  }
0xce: {  	[hbm4b:s4+s2] =	stream.linear.scatter [tilespmem:s2], [sflag:$0x1], $0x8000, $0x38;
	[tilespmem:$0x8000] =	vst v63  }
0xcf: {  	_ = 	snop  }
0xd0: {  	[hbm4b:s5+s2] =	stream.linear.scatter [tilespmem:s2], [sflag:$0x1], $0x8000, $0x38;
	[tilespmem:$0x8000] =	vst v63  }
0xd1: {  	_ = 	snop  }
0xd2: {  	[hbm4b:s6+s2] =	stream.linear.scatter [tilespmem:s2], [sflag:$0x1], $0x8000, $0x38;
	[tilespmem:$0x8000] =	vst v63  }
0xd3: {  	_ = 	snop  }
0xd4: {  	[hbm4b:s7+s2] =	stream.linear.scatter [tilespmem:s2], [sflag:$0x1], $0x8000, $0x38;
	[tilespmem:$0x8000] =	vst v63  }
0xd5: {  	_ = 	snop  }
0xd6: {  	[hbm4b:s8+s2] =	stream.linear.scatter [tilespmem:s2], [sflag:$0x1], $0x8000, $0x38;
	[tilespmem:$0x8000] =	vst v63  }
0xd7: {  	_ = 	snop  }
0xd8: {  	[hbm4b:s9+s2] =	stream.linear.scatter [tilespmem:s2], [sflag:$0x1], $0x8000, $0x38;
	[tilespmem:$0x8000] =	vst v63  }
0xd9: {  	_ = 	snop  }
0xda: {  	[hbm4b:s10+s2] =	stream.linear.scatter [tilespmem:s2], [sflag:$0x1], $0x8000, $0x38;
	[tilespmem:$0x8000] =	vst v63  }
0xdb: {  	_ =	swait.ge [sflag:s12], $0x8000  }
0xdc: {  	[sflag:s12] =	ssyncset.done $0x0  }
0xdd: {  	[sflag:s12] =	ssyncadd.s32 $0xFFFF8000  }
0xde: {  	_ =	swait.ge [sflag:s12], $0x8000  }
0xdf: {  	[sflag:s12] =	ssyncset.done $0x0  }
0xe0: {  	[sflag:s12] =	ssyncadd.s32 $0xFFFF8000  }
0xe1: {  	_ =	swait.ge [sflag:s12], $0x8000  }
0xe2: {  	[sflag:s12] =	ssyncset.done $0x0  }
0xe3: {  	[sflag:s12] =	ssyncadd.s32 $0xFFFF8000  }
0xe4: {  	_ =	swait.ge [sflag:s12], $0x8000  }
0xe5: {  	[sflag:s12] =	ssyncset.done $0x0  }
0xe6: {  	[sflag:s12] =	ssyncadd.s32 $0xFFFF8000  }
0xe7: {  	_ =	swait.ge [sflag:s12], $0x8000  }
0xe8: {  	[sflag:s12] =	ssyncset.done $0x0  }
0xe9: {  	[sflag:s12] =	ssyncadd.s32 $0xFFFF8000  }
0xea: {  	_ =	swait.ge [sflag:s12], $0x8000  }
0xeb: {  	[sflag:s12] =	ssyncset.done $0x0  }
0xec: {  	s13 =	sadd.s32 $0x1, s13;
	[sflag:s12] =	ssyncadd.s32 $0xFFFF8000  }
0xed: {  	p0 =	sne.s32 s13, s11;
	_ =	swait.ge [sflag:s12], $0x8000  }
.Ltmp1:
0xee: {  	[sflag:s12] =	ssyncset.done $0x0;
	(pc) =	sbr.rel @p0 .LBB2_1-.Ltmp1, $4  }
0xef: {  	[sflag:s12] =	ssyncadd.s32 $0xFFFF8000  }
0xf0: {  	_ =	swait.ge [sflag:s12], $0x8000  }
0xf1: {  	[sflag:s12] =	ssyncset.done $0x0  }
0xf2: {  	[sflag:s12] =	ssyncadd.s32 $0xFFFF8000  }
0xf3: {  	_ =	sfence.sel $0x180000  }
0xf4: {  	[bflag:$0x0] =	sbarrier.arrive $0xFFFF  }
0xf5: {  	p0 =	sne.s32 s1, $0x0;
	_ =	strace $0x90000047  }
0xf6: {  	s0 =	sadd.s32 @!p0 $0x100000, s0;
	[bflag:$0x2] =	sbarrier.arrive $0xFFFF  }
0xf7: {  	[sflag:s0] =	ssyncadd.tile.s32 @!p0 $0x1;
	_ =	shalt  }
.Lfunc_end2:
_tile_overlayer_lowered:
.L_overlay_start_2:
0xf8: {  	(tag) =	ssettag $0x2  }
0xf9: {  	s0 =	rddreg [dreg:$0x0];
	s2 =	stileid.u32  }
0xfa: {  	s1 =	rddreg [dreg:$0x1];
	p0 =	sne.s32 s2, $0x0  }
0xfb: {  	s3 =	rddreg [dreg:$0x2];
	[bflag:$0x3] =	sbarrier.arrive $0xFFFF;
	s2 =	simm.s32 @!p0 $0x1C02  }
0xfc: {  	[timem:s3], [sflag:s2] =	dma.local @!p0 [hbm:s0], s1  }
0xfd: {  	s0 =	simm.s32 @!p0 $0x2  }
0xfe: {  	_ =	swait.ge @!p0 [sflag:s0], s1  }
0xff: {  	s1 =	ssub.s32 @!p0 $0x0, s1;
	[sflag:s0] =	ssyncset.done @!p0 $0x0  }
0x100: {  	[sflag:s0] =	ssyncadd.s32 @!p0 s1  }
0x101: {  	[bflag:$0x3] =	sbarrier.arrive $0xFFFF  }
0x102: {  	_ =	shalt  }

</sc_bundles>
